<compile_context>
chip_gen: v7x
topology: tpu7x:2x2x1
jax: 0.10.2.dev20260603
libtpu: 0.0.44.dev20260713+nightly
codegen_flags: <defaults>
</compile_context>

<pallas_src>
import functools

import jax
import jax.numpy as jnp
from jax import lax
from jax.experimental import pallas as pl
from jax.experimental.pallas import tpu as pltpu
from jax.experimental.pallas import tpu_sc as plsc

B, S, D = 1024, 20, 64
H = 4
DH = D // H
USR = 8
GLOB = D - USR
POOL = 10000

NROWS = B * S
PPAD = 10240
PCHUNK = 1024
NCHUNK = PPAD // PCHUNK
RBLK = 256
NRB = NROWS // RBLK
BB = 256
NBB = B // BB

_NC = 2
_NS = 16
_NW = _NC * _NS
_CHUNK = 128
_NCH = NROWS // _CHUNK
_CH_PER_W = _NCH // _NW
_ROWS_PER_W = NROWS // _NW


def _silu(x):
    return x * jax.nn.sigmoid(x)


def _router_body(h_ref, wk_ref, wv_ref, idxk_ref, idxv_ref):
    h = h_ref[...].astype(jnp.bfloat16)
    col0 = jax.lax.broadcasted_iota(jnp.int32, (RBLK, PCHUNK), 1)

    def one(w_ref, j, m, a):
        logits = jnp.dot(h, w_ref[:, j * PCHUNK:(j + 1) * PCHUNK],
                         preferred_element_type=jnp.float32)
        if (j + 1) * PCHUNK > POOL:
            logits = jnp.where(col0 + j * PCHUNK < POOL, logits, -jnp.inf)
        m_c = jnp.max(logits, axis=1, keepdims=True)
        cand = jnp.where(logits == m_c, col0 + j * PCHUNK, jnp.int32(2**30))
        a_c = jnp.min(cand, axis=1, keepdims=True)
        upd = m_c > m
        return jnp.where(upd, m_c, m), jnp.where(upd, a_c, a)

    neg = jnp.full((RBLK, 1), -jnp.inf, jnp.float32)
    zero = jnp.zeros((RBLK, 1), jnp.int32)
    mk, ak, mv, av = neg, zero, neg, zero
    for j in range(NCHUNK):
        mk, ak = one(wk_ref, j, mk, ak)
        mv, av = one(wv_ref, j, mv, av)
    idxk_ref[0, 0, :] = ak[:, 0]
    idxv_ref[0, 0, :] = av[:, 0]


def _attn_body(t_ref, h_ref, gk_ref, gv_ref, wq_ref, wk_ref, wv_ref, wo_ref,
               o_ref):
    q = _silu(jnp.dot(t_ref[...], wq_ref[...],
                      preferred_element_type=jnp.float32))
    hist = h_ref[...].reshape(BB * S, D)
    uk = _silu(_silu(jnp.dot(hist, wk_ref[...],
                             preferred_element_type=jnp.float32)))
    uv = _silu(_silu(jnp.dot(hist, wv_ref[...],
                             preferred_element_type=jnp.float32)))
    kfull = jnp.concatenate([_silu(gk_ref[...][:, :GLOB]), uk], axis=-1)
    vfull = jnp.concatenate([_silu(gv_ref[...][:, :GLOB]), uv], axis=-1)
    k3 = kfull.reshape(BB, S, D)
    v3 = vfull.reshape(BB, S, D)

    scale = DH ** 0.5
    outs = []
    for hh in range(H):
        sl = slice(hh * DH, (hh + 1) * DH)
        qh = q[:, sl]
        kh = k3[:, :, sl]
        s = jnp.sum(qh[:, None, :] * kh, axis=-1) / scale
        s = s - jnp.max(s, axis=1, keepdims=True)
        e = jnp.exp(s)
        a = e / jnp.sum(e, axis=1, keepdims=True)
        vh = v3[:, :, sl]
        outs.append(jnp.sum(a[:, :, None] * vh, axis=1))
    out = jnp.concatenate(outs, axis=-1)
    o_ref[...] = jnp.dot(out, wo_ref[...], preferred_element_type=jnp.float32)


def _sc_gather(kpool_hbm, vpool_hbm, idxk_hbm, idxv_hbm, outk_hbm, outv_hbm,
               idx_v, rows_v, sem):
    wid = lax.axis_index("s") * _NC + lax.axis_index("c")
    base_row = wid * _ROWS_PER_W
    for pool_hbm, idx_hbm, out_hbm in ((kpool_hbm, idxk_hbm, outk_hbm),
                                       (vpool_hbm, idxv_hbm, outv_hbm)):
        pltpu.sync_copy(idx_hbm.at[pl.ds(base_row, _ROWS_PER_W)], idx_v)
        copies = [
            pltpu.async_copy(pool_hbm.at[idx_v.at[pl.ds(j * _CHUNK, _CHUNK)]],
                             rows_v.at[pl.ds(j * _CHUNK, _CHUNK)], sem)
            for j in range(_CH_PER_W)
        ]
        for c in copies:
            c.wait()
        pltpu.sync_copy(rows_v, out_hbm.at[pl.ds(base_row, _ROWS_PER_W)])


def kernel(target_item, history_sequence, W_q, W_k, router_K_w, global_K_pool,
           W_v, router_V_w, global_V_pool, W_o):
    hist2d = history_sequence.reshape(NROWS, D)

    pad = ((0, 0), (0, PPAD - POOL))
    wk_pad = jnp.pad(router_K_w.astype(jnp.bfloat16), pad)
    wv_pad = jnp.pad(router_V_w.astype(jnp.bfloat16), pad)

    wspec = pl.BlockSpec((D, PPAD), lambda i: (0, 0))
    idxk3, idxv3 = pl.pallas_call(
        _router_body,
        grid=(NRB,),
        in_specs=[
            pl.BlockSpec((RBLK, D), lambda i: (i, 0)),
            wspec, wspec,
        ],
        out_specs=[
            pl.BlockSpec((1, 1, RBLK), lambda i: (i, 0, 0)),
            pl.BlockSpec((1, 1, RBLK), lambda i: (i, 0, 0)),
        ],
        out_shape=[
            jax.ShapeDtypeStruct((NRB, 1, RBLK), jnp.int32),
            jax.ShapeDtypeStruct((NRB, 1, RBLK), jnp.int32),
        ],
    )(hist2d, wk_pad, wv_pad)

    idxk1d = idxk3.reshape(NROWS)
    idxv1d = idxv3.reshape(NROWS)
    kpool_pad = jnp.pad(global_K_pool, ((0, 0), (0, D - GLOB)))
    vpool_pad = jnp.pad(global_V_pool, ((0, 0), (0, D - GLOB)))

    gather = functools.partial(
        pl.kernel,
        mesh=plsc.VectorSubcoreMesh(core_axis_name="c", subcore_axis_name="s"),
        compiler_params=pltpu.CompilerParams(use_tc_tiling_on_sc=False),
        out_type=(
            jax.ShapeDtypeStruct((NROWS, D), jnp.float32),
            jax.ShapeDtypeStruct((NROWS, D), jnp.float32),
        ),
        scratch_types=[
            pltpu.VMEM((_ROWS_PER_W,), jnp.int32),
            pltpu.VMEM((_ROWS_PER_W, D), jnp.float32),
            pltpu.SemaphoreType.DMA,
        ],
    )(_sc_gather)
    gk, gv = gather(kpool_pad, vpool_pad, idxk1d, idxv1d)

    out = pl.pallas_call(
        _attn_body,
        grid=(NBB,),
        in_specs=[
            pl.BlockSpec((BB, D), lambda i: (i, 0)),
            pl.BlockSpec((BB, S, D), lambda i: (i, 0, 0)),
            pl.BlockSpec((BB * S, D), lambda i: (i, 0)),
            pl.BlockSpec((BB * S, D), lambda i: (i, 0)),
            pl.BlockSpec((D, D), lambda i: (0, 0)),
            pl.BlockSpec((D, USR), lambda i: (0, 0)),
            pl.BlockSpec((D, USR), lambda i: (0, 0)),
            pl.BlockSpec((D, D), lambda i: (0, 0)),
        ],
        out_specs=pl.BlockSpec((BB, D), lambda i: (i, 0)),
        out_shape=jax.ShapeDtypeStruct((B, D), jnp.float32),
    )(target_item, history_sequence, gk, gv, W_q, W_k, W_v, W_o)
    return out

# --- scband reference (transcript-rebuilt; emitter-appended) ---
"""Pipeline reference for scband-multi-head-target-attention-collective-kv-51616916963440 (READ-ONLY COPY).

The authoritative reference and input builder live on the scoring server;
editing this copy changes nothing except your own understanding.
"""

import jax, jax.numpy as jnp
import numpy as np

B, S, D = 1024, 20, 64
H = 4
DH = D // H
USR = 8
GLOB = D - USR
POOL = 10000


def setup_inputs(seed: int = 0) -> dict:
    key = jax.random.key(seed)
    ks = jax.random.split(key, 10)
    inp = {
        "target_item": jax.random.normal(ks[0], (B, D), dtype=jnp.float32),
        "history_sequence": jax.random.normal(ks[1], (B, S, D), dtype=jnp.float32),
        "W_q": jax.random.normal(ks[2], (D, D), dtype=jnp.float32) * 0.05,
        "W_k": jax.random.normal(ks[3], (D, USR), dtype=jnp.float32) * 0.05,
        "router_K_w": jax.random.normal(ks[4], (D, POOL), dtype=jnp.float32) * 0.05,
        "global_K_pool": jax.random.normal(ks[5], (POOL, GLOB), dtype=jnp.float32),
        "W_v": jax.random.normal(ks[6], (D, USR), dtype=jnp.float32) * 0.05,
        "router_V_w": jax.random.normal(ks[7], (D, POOL), dtype=jnp.float32) * 0.05,
        "global_V_pool": jax.random.normal(ks[8], (POOL, GLOB), dtype=jnp.float32),
        "W_o": jax.random.normal(ks[9], (D, D), dtype=jnp.float32) * 0.05,
    }
    return inp


def _silu(x):
    return x * jax.nn.sigmoid(x)


def reference(target_item, history_sequence, W_q, W_k, router_K_w, global_K_pool, W_v, router_V_w, global_V_pool, W_o):
    # eval-mode path of MultiHeadTargetAttention_CollectiveKV (share_k=share_v=True, use_qkvo=True, use_silu=True)
    b = target_item.shape[0]
    query = target_item @ W_q  # (b, D)

    # --- key branch: user-specific + routed global pool (top-1 argmax in eval) ---
    usr_key = _silu(history_sequence @ W_k)            # (b, s, USR)
    rK = history_sequence @ router_K_w                 # (b, s, POOL)
    idxK = jnp.argmax(rK, axis=-1)                     # (b, s)
    gkey = jnp.take(global_K_pool, idxK, axis=0)       # (b, s, GLOB) gather
    key = jnp.concatenate([gkey, usr_key], axis=-1)    # (b, s, D)

    # --- value branch ---
    usr_val = _silu(history_sequence @ W_v)
    rV = history_sequence @ router_V_w
    idxV = jnp.argmax(rV, axis=-1)
    gval = jnp.take(global_V_pool, idxV, axis=0)
    value = jnp.concatenate([gval, usr_val], axis=-1)

    # use_silu=True
    query = _silu(query)
    key = _silu(key)
    value = _silu(value)

    q = query.reshape(b, 1, H, DH).transpose(0, 2, 1, 3)   # (b, H, 1, dh)
    k = key.reshape(b, S, H, DH).transpose(0, 2, 1, 3)     # (b, H, s, dh)
    v = value.reshape(b, S, H, DH).transpose(0, 2, 1, 3)   # (b, H, s, dh)

    scale = DH ** 0.5
    scores = jnp.matmul(q, k.transpose(0, 1, 3, 2)) / scale  # (b, H, 1, s)
    attn = jax.nn.softmax(scores, axis=-1)
    out = jnp.matmul(attn, v)                                # (b, H, 1, dh)
    out = out.transpose(0, 2, 1, 3).reshape(b, H * DH)       # (b, D)
    out = out @ W_o                                          # (b, D)
    return out

if __name__ == "__main__":
    import jax
    _d = setup_inputs()
    print(jax.jit(kernel)(*tuple(_d.values())))

</pallas_src>

<mosaic_0001>
#map = affine_map<(d0, d1) -> (0, 0)>
#map1 = affine_map<(d0, d1) -> (0)>
module attributes {stable_mosaic.version = 14 : i64} {
  func.func @_sc_gather(%arg0: i32, %arg1: i32, %arg2: memref<10000x64xf32, #tpu.memory_space<hbm>>, %arg3: memref<10000x64xf32, #tpu.memory_space<hbm>>, %arg4: memref<20480xi32, #tpu.memory_space<hbm>>, %arg5: memref<20480xi32, #tpu.memory_space<hbm>>, %arg6: memref<20480x64xf32, #tpu.memory_space<hbm>>, %arg7: memref<20480x64xf32, #tpu.memory_space<hbm>>, %arg8: memref<640xi32, #tpu.memory_space<vmem>>, %arg9: memref<640x64xf32, #tpu.memory_space<vmem>>, %arg10: memref<!tpu.dma_semaphore, #tpu.memory_space<semaphore_mem>>) attributes {dimension_semantics = [#tpu.dimension_semantics<core_parallel>, #tpu.dimension_semantics<subcore_parallel>], iteration_bounds = array<i64: 2, 16>, scalar_prefetch = 0 : i64, scratch_operands = 3 : i64, tpu.core_type = #tpu.core_type<sc_vector_subcore>, window_params = [{transform_indices = #map}, {transform_indices = #map}, {transform_indices = #map1}, {transform_indices = #map1}, {transform_indices = #map}, {transform_indices = #map}]} {
    %mul3A = arith.constant 2 : i32
    %mul3A_0 = arith.muli %arg1, %mul3A : i32
    %add3A = arith.addi %mul3A_0, %arg0 : i32
    %mul3A_1 = arith.constant 640 : i32
    %mul3A_2 = arith.muli %add3A, %mul3A_1 : i32
    "tpu.region"() ({
      %run_scoped3A = tpu.sem_alloc : memref<!tpu.dma_semaphore, #tpu.memory_space<semaphore_mem>>
      %dma_start3A_161 = tpu.memref_slice %arg4[%mul3A_2] : memref<20480xi32, #tpu.memory_space<hbm>> -> memref<640xi32, #tpu.memory_space<hbm>>
      %dma_start3A_162 = tpu.memref_slice %arg4[%mul3A_2] : memref<20480xi32, #tpu.memory_space<hbm>> -> memref<640xi32, #tpu.memory_space<hbm>>
      tpu.enqueue_dma source(%dma_start3A_162 : memref<640xi32, #tpu.memory_space<hbm>>) target(%arg8 : memref<640xi32, #tpu.memory_space<vmem>>) target_semaphore(%run_scoped3A : memref<!tpu.dma_semaphore, #tpu.memory_space<semaphore_mem>>)
      %dma_wait3A_163 = tpu.memref_slice %arg4[%mul3A_2] : memref<20480xi32, #tpu.memory_space<hbm>> -> memref<640xi32, #tpu.memory_space<hbm>>
      %dma_wait3A_164 = tpu.memref_slice %arg4[%mul3A_2] : memref<20480xi32, #tpu.memory_space<hbm>> -> memref<640xi32, #tpu.memory_space<hbm>>
      tpu.wait_dma2 semaphore(%run_scoped3A : memref<!tpu.dma_semaphore, #tpu.memory_space<semaphore_mem>>) src(%dma_wait3A_164 : memref<640xi32, #tpu.memory_space<hbm>>) dst(%arg8 : memref<640xi32, #tpu.memory_space<vmem>>)
      tpu.yield
    }) : () -> ()
    %dma_start3A = arith.constant 0 : i32
    %dma_start3A_3 = arith.constant 0 : i32
    %dma_start3A_4 = tpu.memref_slice %arg9[%dma_start3A, %dma_start3A_3] : memref<640x64xf32, #tpu.memory_space<vmem>> -> memref<128x64xf32, #tpu.memory_space<vmem>>
    %dma_start3A_5 = arith.constant 0 : i32
    %dma_start3A_6 = tpu.memref_slice %arg8[%dma_start3A_5] : memref<640xi32, #tpu.memory_space<vmem>> -> memref<128xi32, #tpu.memory_space<vmem>>
    %dma_start3A_7 = arith.constant 0 : i32
    %dma_start3A_8 = arith.constant 0 : i32
    %dma_start3A_9 = tpu.memref_slice %arg2[%dma_start3A_7, %dma_start3A_8] : memref<10000x64xf32, #tpu.memory_space<hbm>> -> memref<10000x64xf32, #tpu.memory_space<hbm>>
    tpu.enqueue_indirect_dma source(%dma_start3A_9 : memref<10000x64xf32, #tpu.memory_space<hbm>>) target(%dma_start3A_4 : memref<128x64xf32, #tpu.memory_space<vmem>>) offsets(%dma_start3A_6 : memref<128xi32, #tpu.memory_space<vmem>>) semaphore(%arg10 : memref<!tpu.dma_semaphore, #tpu.memory_space<semaphore_mem>>)
    %dma_start3A_10 = arith.constant 128 : i32
    %dma_start3A_11 = arith.constant 0 : i32
    %dma_start3A_12 = tpu.memref_slice %arg9[%dma_start3A_10, %dma_start3A_11] : memref<640x64xf32, #tpu.memory_space<vmem>> -> memref<128x64xf32, #tpu.memory_space<vmem>>
    %dma_start3A_13 = arith.constant 128 : i32
    %dma_start3A_14 = tpu.memref_slice %arg8[%dma_start3A_13] : memref<640xi32, #tpu.memory_space<vmem>> -> memref<128xi32, #tpu.memory_space<vmem>>
    %dma_start3A_15 = arith.constant 0 : i32
    %dma_start3A_16 = arith.constant 0 : i32
    %dma_start3A_17 = tpu.memref_slice %arg2[%dma_start3A_15, %dma_start3A_16] : memref<10000x64xf32, #tpu.memory_space<hbm>> -> memref<10000x64xf32, #tpu.memory_space<hbm>>
    tpu.enqueue_indirect_dma source(%dma_start3A_17 : memref<10000x64xf32, #tpu.memory_space<hbm>>) target(%dma_start3A_12 : memref<128x64xf32, #tpu.memory_space<vmem>>) offsets(%dma_start3A_14 : memref<128xi32, #tpu.memory_space<vmem>>) semaphore(%arg10 : memref<!tpu.dma_semaphore, #tpu.memory_space<semaphore_mem>>)
    %dma_start3A_18 = arith.constant 256 : i32
    %dma_start3A_19 = arith.constant 0 : i32
    %dma_start3A_20 = tpu.memref_slice %arg9[%dma_start3A_18, %dma_start3A_19] : memref<640x64xf32, #tpu.memory_space<vmem>> -> memref<128x64xf32, #tpu.memory_space<vmem>>
    %dma_start3A_21 = arith.constant 256 : i32
    %dma_start3A_22 = tpu.memref_slice %arg8[%dma_start3A_21] : memref<640xi32, #tpu.memory_space<vmem>> -> memref<128xi32, #tpu.memory_space<vmem>>
    %dma_start3A_23 = arith.constant 0 : i32
    %dma_start3A_24 = arith.constant 0 : i32
    %dma_start3A_25 = tpu.memref_slice %arg2[%dma_start3A_23, %dma_start3A_24] : memref<10000x64xf32, #tpu.memory_space<hbm>> -> memref<10000x64xf32, #tpu.memory_space<hbm>>
    tpu.enqueue_indirect_dma source(%dma_start3A_25 : memref<10000x64xf32, #tpu.memory_space<hbm>>) target(%dma_start3A_20 : memref<128x64xf32, #tpu.memory_space<vmem>>) offsets(%dma_start3A_22 : memref<128xi32, #tpu.memory_space<vmem>>) semaphore(%arg10 : memref<!tpu.dma_semaphore, #tpu.memory_space<semaphore_mem>>)
    %dma_start3A_26 = arith.constant 384 : i32
    %dma_start3A_27 = arith.constant 0 : i32
    %dma_start3A_28 = tpu.memref_slice %arg9[%dma_start3A_26, %dma_start3A_27] : memref<640x64xf32, #tpu.memory_space<vmem>> -> memref<128x64xf32, #tpu.memory_space<vmem>>
    %dma_start3A_29 = arith.constant 384 : i32
    %dma_start3A_30 = tpu.memref_slice %arg8[%dma_start3A_29] : memref<640xi32, #tpu.memory_space<vmem>> -> memref<128xi32, #tpu.memory_space<vmem>>
    %dma_start3A_31 = arith.constant 0 : i32
    %dma_start3A_32 = arith.constant 0 : i32
    %dma_start3A_33 = tpu.memref_slice %arg2[%dma_start3A_31, %dma_start3A_32] : memref<10000x64xf32, #tpu.memory_space<hbm>> -> memref<10000x64xf32, #tpu.memory_space<hbm>>
    tpu.enqueue_indirect_dma source(%dma_start3A_33 : memref<10000x64xf32, #tpu.memory_space<hbm>>) target(%dma_start3A_28 : memref<128x64xf32, #tpu.memory_space<vmem>>) offsets(%dma_start3A_30 : memref<128xi32, #tpu.memory_space<vmem>>) semaphore(%arg10 : memref<!tpu.dma_semaphore, #tpu.memory_space<semaphore_mem>>)
    %dma_start3A_34 = arith.constant 512 : i32
    %dma_start3A_35 = arith.constant 0 : i32
    %dma_start3A_36 = tpu.memref_slice %arg9[%dma_start3A_34, %dma_start3A_35] : memref<640x64xf32, #tpu.memory_space<vmem>> -> memref<128x64xf32, #tpu.memory_space<vmem>>
    %dma_start3A_37 = arith.constant 512 : i32
    %dma_start3A_38 = tpu.memref_slice %arg8[%dma_start3A_37] : memref<640xi32, #tpu.memory_space<vmem>> -> memref<128xi32, #tpu.memory_space<vmem>>
    %dma_start3A_39 = arith.constant 0 : i32
    %dma_start3A_40 = arith.constant 0 : i32
    %dma_start3A_41 = tpu.memref_slice %arg2[%dma_start3A_39, %dma_start3A_40] : memref<10000x64xf32, #tpu.memory_space<hbm>> -> memref<10000x64xf32, #tpu.memory_space<hbm>>
    tpu.enqueue_indirect_dma source(%dma_start3A_41 : memref<10000x64xf32, #tpu.memory_space<hbm>>) target(%dma_start3A_36 : memref<128x64xf32, #tpu.memory_space<vmem>>) offsets(%dma_start3A_38 : memref<128xi32, #tpu.memory_space<vmem>>) semaphore(%arg10 : memref<!tpu.dma_semaphore, #tpu.memory_space<semaphore_mem>>)
    %dma_wait3A = arith.constant 0 : i32
    %dma_wait3A_42 = arith.constant 0 : i32
    %dma_wait3A_43 = tpu.memref_slice %arg9[%dma_wait3A, %dma_wait3A_42] : memref<640x64xf32, #tpu.memory_space<vmem>> -> memref<128x64xf32, #tpu.memory_space<vmem>>
    %dma_wait3A_44 = arith.constant 0 : i32
    %dma_wait3A_45 = tpu.memref_slice %arg8[%dma_wait3A_44] : memref<640xi32, #tpu.memory_space<vmem>> -> memref<128xi32, #tpu.memory_space<vmem>>
    %dma_wait3A_46 = arith.constant 0 : i32
    %dma_wait3A_47 = arith.constant 0 : i32
    %dma_wait3A_48 = tpu.memref_slice %arg2[%dma_wait3A_46, %dma_wait3A_47] : memref<10000x64xf32, #tpu.memory_space<hbm>> -> memref<10000x64xf32, #tpu.memory_space<hbm>>
    tpu.wait_indirect_dma semaphore(%arg10 : memref<!tpu.dma_semaphore, #tpu.memory_space<semaphore_mem>>) src(%dma_wait3A_48 : memref<10000x64xf32, #tpu.memory_space<hbm>>) dst(%dma_wait3A_43 : memref<128x64xf32, #tpu.memory_space<vmem>>)
    %dma_wait3A_49 = arith.constant 128 : i32
    %dma_wait3A_50 = arith.constant 0 : i32
    %dma_wait3A_51 = tpu.memref_slice %arg9[%dma_wait3A_49, %dma_wait3A_50] : memref<640x64xf32, #tpu.memory_space<vmem>> -> memref<128x64xf32, #tpu.memory_space<vmem>>
    %dma_wait3A_52 = arith.constant 128 : i32
    %dma_wait3A_53 = tpu.memref_slice %arg8[%dma_wait3A_52] : memref<640xi32, #tpu.memory_space<vmem>> -> memref<128xi32, #tpu.memory_space<vmem>>
    %dma_wait3A_54 = arith.constant 0 : i32
    %dma_wait3A_55 = arith.constant 0 : i32
    %dma_wait3A_56 = tpu.memref_slice %arg2[%dma_wait3A_54, %dma_wait3A_55] : memref<10000x64xf32, #tpu.memory_space<hbm>> -> memref<10000x64xf32, #tpu.memory_space<hbm>>
    tpu.wait_indirect_dma semaphore(%arg10 : memref<!tpu.dma_semaphore, #tpu.memory_space<semaphore_mem>>) src(%dma_wait3A_56 : memref<10000x64xf32, #tpu.memory_space<hbm>>) dst(%dma_wait3A_51 : memref<128x64xf32, #tpu.memory_space<vmem>>)
    %dma_wait3A_57 = arith.constant 256 : i32
    %dma_wait3A_58 = arith.constant 0 : i32
    %dma_wait3A_59 = tpu.memref_slice %arg9[%dma_wait3A_57, %dma_wait3A_58] : memref<640x64xf32, #tpu.memory_space<vmem>> -> memref<128x64xf32, #tpu.memory_space<vmem>>
    %dma_wait3A_60 = arith.constant 256 : i32
    %dma_wait3A_61 = tpu.memref_slice %arg8[%dma_wait3A_60] : memref<640xi32, #tpu.memory_space<vmem>> -> memref<128xi32, #tpu.memory_space<vmem>>
    %dma_wait3A_62 = arith.constant 0 : i32
    %dma_wait3A_63 = arith.constant 0 : i32
    %dma_wait3A_64 = tpu.memref_slice %arg2[%dma_wait3A_62, %dma_wait3A_63] : memref<10000x64xf32, #tpu.memory_space<hbm>> -> memref<10000x64xf32, #tpu.memory_space<hbm>>
    tpu.wait_indirect_dma semaphore(%arg10 : memref<!tpu.dma_semaphore, #tpu.memory_space<semaphore_mem>>) src(%dma_wait3A_64 : memref<10000x64xf32, #tpu.memory_space<hbm>>) dst(%dma_wait3A_59 : memref<128x64xf32, #tpu.memory_space<vmem>>)
    %dma_wait3A_65 = arith.constant 384 : i32
    %dma_wait3A_66 = arith.constant 0 : i32
    %dma_wait3A_67 = tpu.memref_slice %arg9[%dma_wait3A_65, %dma_wait3A_66] : memref<640x64xf32, #tpu.memory_space<vmem>> -> memref<128x64xf32, #tpu.memory_space<vmem>>
    %dma_wait3A_68 = arith.constant 384 : i32
    %dma_wait3A_69 = tpu.memref_slice %arg8[%dma_wait3A_68] : memref<640xi32, #tpu.memory_space<vmem>> -> memref<128xi32, #tpu.memory_space<vmem>>
    %dma_wait3A_70 = arith.constant 0 : i32
    %dma_wait3A_71 = arith.constant 0 : i32
    %dma_wait3A_72 = tpu.memref_slice %arg2[%dma_wait3A_70, %dma_wait3A_71] : memref<10000x64xf32, #tpu.memory_space<hbm>> -> memref<10000x64xf32, #tpu.memory_space<hbm>>
    tpu.wait_indirect_dma semaphore(%arg10 : memref<!tpu.dma_semaphore, #tpu.memory_space<semaphore_mem>>) src(%dma_wait3A_72 : memref<10000x64xf32, #tpu.memory_space<hbm>>) dst(%dma_wait3A_67 : memref<128x64xf32, #tpu.memory_space<vmem>>)
    %dma_wait3A_73 = arith.constant 512 : i32
    %dma_wait3A_74 = arith.constant 0 : i32
    %dma_wait3A_75 = tpu.memref_slice %arg9[%dma_wait3A_73, %dma_wait3A_74] : memref<640x64xf32, #tpu.memory_space<vmem>> -> memref<128x64xf32, #tpu.memory_space<vmem>>
    %dma_wait3A_76 = arith.constant 512 : i32
    %dma_wait3A_77 = tpu.memref_slice %arg8[%dma_wait3A_76] : memref<640xi32, #tpu.memory_space<vmem>> -> memref<128xi32, #tpu.memory_space<vmem>>
    %dma_wait3A_78 = arith.constant 0 : i32
    %dma_wait3A_79 = arith.constant 0 : i32
    %dma_wait3A_80 = tpu.memref_slice %arg2[%dma_wait3A_78, %dma_wait3A_79] : memref<10000x64xf32, #tpu.memory_space<hbm>> -> memref<10000x64xf32, #tpu.memory_space<hbm>>
    tpu.wait_indirect_dma semaphore(%arg10 : memref<!tpu.dma_semaphore, #tpu.memory_space<semaphore_mem>>) src(%dma_wait3A_80 : memref<10000x64xf32, #tpu.memory_space<hbm>>) dst(%dma_wait3A_75 : memref<128x64xf32, #tpu.memory_space<vmem>>)
    "tpu.region"() ({
      %run_scoped3A = tpu.sem_alloc : memref<!tpu.dma_semaphore, #tpu.memory_space<semaphore_mem>>
      %dma_start3A_161 = arith.constant 0 : i32
      %dma_start3A_162 = tpu.memref_slice %arg6[%mul3A_2, %dma_start3A_161] : memref<20480x64xf32, #tpu.memory_space<hbm>> -> memref<640x64xf32, #tpu.memory_space<hbm>>
      %dma_start3A_163 = arith.constant 0 : i32
      %dma_start3A_164 = tpu.memref_slice %arg6[%mul3A_2, %dma_start3A_163] : memref<20480x64xf32, #tpu.memory_space<hbm>> -> memref<640x64xf32, #tpu.memory_space<hbm>>
      tpu.enqueue_dma source(%arg9 : memref<640x64xf32, #tpu.memory_space<vmem>>) target(%dma_start3A_164 : memref<640x64xf32, #tpu.memory_space<hbm>>) target_semaphore(%run_scoped3A : memref<!tpu.dma_semaphore, #tpu.memory_space<semaphore_mem>>)
      %dma_wait3A_165 = arith.constant 0 : i32
      %dma_wait3A_166 = tpu.memref_slice %arg6[%mul3A_2, %dma_wait3A_165] : memref<20480x64xf32, #tpu.memory_space<hbm>> -> memref<640x64xf32, #tpu.memory_space<hbm>>
      %dma_wait3A_167 = arith.constant 0 : i32
      %dma_wait3A_168 = tpu.memref_slice %arg6[%mul3A_2, %dma_wait3A_167] : memref<20480x64xf32, #tpu.memory_space<hbm>> -> memref<640x64xf32, #tpu.memory_space<hbm>>
      tpu.wait_dma2 semaphore(%run_scoped3A : memref<!tpu.dma_semaphore, #tpu.memory_space<semaphore_mem>>) src(%arg9 : memref<640x64xf32, #tpu.memory_space<vmem>>) dst(%dma_wait3A_168 : memref<640x64xf32, #tpu.memory_space<hbm>>)
      tpu.yield
    }) : () -> ()
    "tpu.region"() ({
      %run_scoped3A = tpu.sem_alloc : memref<!tpu.dma_semaphore, #tpu.memory_space<semaphore_mem>>
      %dma_start3A_161 = tpu.memref_slice %arg5[%mul3A_2] : memref<20480xi32, #tpu.memory_space<hbm>> -> memref<640xi32, #tpu.memory_space<hbm>>
      %dma_start3A_162 = tpu.memref_slice %arg5[%mul3A_2] : memref<20480xi32, #tpu.memory_space<hbm>> -> memref<640xi32, #tpu.memory_space<hbm>>
      tpu.enqueue_dma source(%dma_start3A_162 : memref<640xi32, #tpu.memory_space<hbm>>) target(%arg8 : memref<640xi32, #tpu.memory_space<vmem>>) target_semaphore(%run_scoped3A : memref<!tpu.dma_semaphore, #tpu.memory_space<semaphore_mem>>)
      %dma_wait3A_163 = tpu.memref_slice %arg5[%mul3A_2] : memref<20480xi32, #tpu.memory_space<hbm>> -> memref<640xi32, #tpu.memory_space<hbm>>
      %dma_wait3A_164 = tpu.memref_slice %arg5[%mul3A_2] : memref<20480xi32, #tpu.memory_space<hbm>> -> memref<640xi32, #tpu.memory_space<hbm>>
      tpu.wait_dma2 semaphore(%run_scoped3A : memref<!tpu.dma_semaphore, #tpu.memory_space<semaphore_mem>>) src(%dma_wait3A_164 : memref<640xi32, #tpu.memory_space<hbm>>) dst(%arg8 : memref<640xi32, #tpu.memory_space<vmem>>)
      tpu.yield
    }) : () -> ()
    %dma_start3A_81 = arith.constant 0 : i32
    %dma_start3A_82 = arith.constant 0 : i32
    %dma_start3A_83 = tpu.memref_slice %arg9[%dma_start3A_81, %dma_start3A_82] : memref<640x64xf32, #tpu.memory_space<vmem>> -> memref<128x64xf32, #tpu.memory_space<vmem>>
    %dma_start3A_84 = arith.constant 0 : i32
    %dma_start3A_85 = tpu.memref_slice %arg8[%dma_start3A_84] : memref<640xi32, #tpu.memory_space<vmem>> -> memref<128xi32, #tpu.memory_space<vmem>>
    %dma_start3A_86 = arith.constant 0 : i32
    %dma_start3A_87 = arith.constant 0 : i32
    %dma_start3A_88 = tpu.memref_slice %arg3[%dma_start3A_86, %dma_start3A_87] : memref<10000x64xf32, #tpu.memory_space<hbm>> -> memref<10000x64xf32, #tpu.memory_space<hbm>>
    tpu.enqueue_indirect_dma source(%dma_start3A_88 : memref<10000x64xf32, #tpu.memory_space<hbm>>) target(%dma_start3A_83 : memref<128x64xf32, #tpu.memory_space<vmem>>) offsets(%dma_start3A_85 : memref<128xi32, #tpu.memory_space<vmem>>) semaphore(%arg10 : memref<!tpu.dma_semaphore, #tpu.memory_space<semaphore_mem>>)
    %dma_start3A_89 = arith.constant 128 : i32
    %dma_start3A_90 = arith.constant 0 : i32
    %dma_start3A_91 = tpu.memref_slice %arg9[%dma_start3A_89, %dma_start3A_90] : memref<640x64xf32, #tpu.memory_space<vmem>> -> memref<128x64xf32, #tpu.memory_space<vmem>>
    %dma_start3A_92 = arith.constant 128 : i32
    %dma_start3A_93 = tpu.memref_slice %arg8[%dma_start3A_92] : memref<640xi32, #tpu.memory_space<vmem>> -> memref<128xi32, #tpu.memory_space<vmem>>
    %dma_start3A_94 = arith.constant 0 : i32
    %dma_start3A_95 = arith.constant 0 : i32
    %dma_start3A_96 = tpu.memref_slice %arg3[%dma_start3A_94, %dma_start3A_95] : memref<10000x64xf32, #tpu.memory_space<hbm>> -> memref<10000x64xf32, #tpu.memory_space<hbm>>
    tpu.enqueue_indirect_dma source(%dma_start3A_96 : memref<10000x64xf32, #tpu.memory_space<hbm>>) target(%dma_start3A_91 : memref<128x64xf32, #tpu.memory_space<vmem>>) offsets(%dma_start3A_93 : memref<128xi32, #tpu.memory_space<vmem>>) semaphore(%arg10 : memref<!tpu.dma_semaphore, #tpu.memory_space<semaphore_mem>>)
    %dma_start3A_97 = arith.constant 256 : i32
    %dma_start3A_98 = arith.constant 0 : i32
    %dma_start3A_99 = tpu.memref_slice %arg9[%dma_start3A_97, %dma_start3A_98] : memref<640x64xf32, #tpu.memory_space<vmem>> -> memref<128x64xf32, #tpu.memory_space<vmem>>
    %dma_start3A_100 = arith.constant 256 : i32
    %dma_start3A_101 = tpu.memref_slice %arg8[%dma_start3A_100] : memref<640xi32, #tpu.memory_space<vmem>> -> memref<128xi32, #tpu.memory_space<vmem>>
    %dma_start3A_102 = arith.constant 0 : i32
    %dma_start3A_103 = arith.constant 0 : i32
    %dma_start3A_104 = tpu.memref_slice %arg3[%dma_start3A_102, %dma_start3A_103] : memref<10000x64xf32, #tpu.memory_space<hbm>> -> memref<10000x64xf32, #tpu.memory_space<hbm>>
    tpu.enqueue_indirect_dma source(%dma_start3A_104 : memref<10000x64xf32, #tpu.memory_space<hbm>>) target(%dma_start3A_99 : memref<128x64xf32, #tpu.memory_space<vmem>>) offsets(%dma_start3A_101 : memref<128xi32, #tpu.memory_space<vmem>>) semaphore(%arg10 : memref<!tpu.dma_semaphore, #tpu.memory_space<semaphore_mem>>)
    %dma_start3A_105 = arith.constant 384 : i32
    %dma_start3A_106 = arith.constant 0 : i32
    %dma_start3A_107 = tpu.memref_slice %arg9[%dma_start3A_105, %dma_start3A_106] : memref<640x64xf32, #tpu.memory_space<vmem>> -> memref<128x64xf32, #tpu.memory_space<vmem>>
    %dma_start3A_108 = arith.constant 384 : i32
    %dma_start3A_109 = tpu.memref_slice %arg8[%dma_start3A_108] : memref<640xi32, #tpu.memory_space<vmem>> -> memref<128xi32, #tpu.memory_space<vmem>>
    %dma_start3A_110 = arith.constant 0 : i32
    %dma_start3A_111 = arith.constant 0 : i32
    %dma_start3A_112 = tpu.memref_slice %arg3[%dma_start3A_110, %dma_start3A_111] : memref<10000x64xf32, #tpu.memory_space<hbm>> -> memref<10000x64xf32, #tpu.memory_space<hbm>>
    tpu.enqueue_indirect_dma source(%dma_start3A_112 : memref<10000x64xf32, #tpu.memory_space<hbm>>) target(%dma_start3A_107 : memref<128x64xf32, #tpu.memory_space<vmem>>) offsets(%dma_start3A_109 : memref<128xi32, #tpu.memory_space<vmem>>) semaphore(%arg10 : memref<!tpu.dma_semaphore, #tpu.memory_space<semaphore_mem>>)
    %dma_start3A_113 = arith.constant 512 : i32
    %dma_start3A_114 = arith.constant 0 : i32
    %dma_start3A_115 = tpu.memref_slice %arg9[%dma_start3A_113, %dma_start3A_114] : memref<640x64xf32, #tpu.memory_space<vmem>> -> memref<128x64xf32, #tpu.memory_space<vmem>>
    %dma_start3A_116 = arith.constant 512 : i32
    %dma_start3A_117 = tpu.memref_slice %arg8[%dma_start3A_116] : memref<640xi32, #tpu.memory_space<vmem>> -> memref<128xi32, #tpu.memory_space<vmem>>
    %dma_start3A_118 = arith.constant 0 : i32
    %dma_start3A_119 = arith.constant 0 : i32
    %dma_start3A_120 = tpu.memref_slice %arg3[%dma_start3A_118, %dma_start3A_119] : memref<10000x64xf32, #tpu.memory_space<hbm>> -> memref<10000x64xf32, #tpu.memory_space<hbm>>
    tpu.enqueue_indirect_dma source(%dma_start3A_120 : memref<10000x64xf32, #tpu.memory_space<hbm>>) target(%dma_start3A_115 : memref<128x64xf32, #tpu.memory_space<vmem>>) offsets(%dma_start3A_117 : memref<128xi32, #tpu.memory_space<vmem>>) semaphore(%arg10 : memref<!tpu.dma_semaphore, #tpu.memory_space<semaphore_mem>>)
    %dma_wait3A_121 = arith.constant 0 : i32
    %dma_wait3A_122 = arith.constant 0 : i32
    %dma_wait3A_123 = tpu.memref_slice %arg9[%dma_wait3A_121, %dma_wait3A_122] : memref<640x64xf32, #tpu.memory_space<vmem>> -> memref<128x64xf32, #tpu.memory_space<vmem>>
    %dma_wait3A_124 = arith.constant 0 : i32
    %dma_wait3A_125 = tpu.memref_slice %arg8[%dma_wait3A_124] : memref<640xi32, #tpu.memory_space<vmem>> -> memref<128xi32, #tpu.memory_space<vmem>>
    %dma_wait3A_126 = arith.constant 0 : i32
    %dma_wait3A_127 = arith.constant 0 : i32
    %dma_wait3A_128 = tpu.memref_slice %arg3[%dma_wait3A_126, %dma_wait3A_127] : memref<10000x64xf32, #tpu.memory_space<hbm>> -> memref<10000x64xf32, #tpu.memory_space<hbm>>
    tpu.wait_indirect_dma semaphore(%arg10 : memref<!tpu.dma_semaphore, #tpu.memory_space<semaphore_mem>>) src(%dma_wait3A_128 : memref<10000x64xf32, #tpu.memory_space<hbm>>) dst(%dma_wait3A_123 : memref<128x64xf32, #tpu.memory_space<vmem>>)
    %dma_wait3A_129 = arith.constant 128 : i32
    %dma_wait3A_130 = arith.constant 0 : i32
    %dma_wait3A_131 = tpu.memref_slice %arg9[%dma_wait3A_129, %dma_wait3A_130] : memref<640x64xf32, #tpu.memory_space<vmem>> -> memref<128x64xf32, #tpu.memory_space<vmem>>
    %dma_wait3A_132 = arith.constant 128 : i32
    %dma_wait3A_133 = tpu.memref_slice %arg8[%dma_wait3A_132] : memref<640xi32, #tpu.memory_space<vmem>> -> memref<128xi32, #tpu.memory_space<vmem>>
    %dma_wait3A_134 = arith.constant 0 : i32
    %dma_wait3A_135 = arith.constant 0 : i32
    %dma_wait3A_136 = tpu.memref_slice %arg3[%dma_wait3A_134, %dma_wait3A_135] : memref<10000x64xf32, #tpu.memory_space<hbm>> -> memref<10000x64xf32, #tpu.memory_space<hbm>>
    tpu.wait_indirect_dma semaphore(%arg10 : memref<!tpu.dma_semaphore, #tpu.memory_space<semaphore_mem>>) src(%dma_wait3A_136 : memref<10000x64xf32, #tpu.memory_space<hbm>>) dst(%dma_wait3A_131 : memref<128x64xf32, #tpu.memory_space<vmem>>)
    %dma_wait3A_137 = arith.constant 256 : i32
    %dma_wait3A_138 = arith.constant 0 : i32
    %dma_wait3A_139 = tpu.memref_slice %arg9[%dma_wait3A_137, %dma_wait3A_138] : memref<640x64xf32, #tpu.memory_space<vmem>> -> memref<128x64xf32, #tpu.memory_space<vmem>>
    %dma_wait3A_140 = arith.constant 256 : i32
    %dma_wait3A_141 = tpu.memref_slice %arg8[%dma_wait3A_140] : memref<640xi32, #tpu.memory_space<vmem>> -> memref<128xi32, #tpu.memory_space<vmem>>
    %dma_wait3A_142 = arith.constant 0 : i32
    %dma_wait3A_143 = arith.constant 0 : i32
    %dma_wait3A_144 = tpu.memref_slice %arg3[%dma_wait3A_142, %dma_wait3A_143] : memref<10000x64xf32, #tpu.memory_space<hbm>> -> memref<10000x64xf32, #tpu.memory_space<hbm>>
    tpu.wait_indirect_dma semaphore(%arg10 : memref<!tpu.dma_semaphore, #tpu.memory_space<semaphore_mem>>) src(%dma_wait3A_144 : memref<10000x64xf32, #tpu.memory_space<hbm>>) dst(%dma_wait3A_139 : memref<128x64xf32, #tpu.memory_space<vmem>>)
    %dma_wait3A_145 = arith.constant 384 : i32
    %dma_wait3A_146 = arith.constant 0 : i32
    %dma_wait3A_147 = tpu.memref_slice %arg9[%dma_wait3A_145, %dma_wait3A_146] : memref<640x64xf32, #tpu.memory_space<vmem>> -> memref<128x64xf32, #tpu.memory_space<vmem>>
    %dma_wait3A_148 = arith.constant 384 : i32
    %dma_wait3A_149 = tpu.memref_slice %arg8[%dma_wait3A_148] : memref<640xi32, #tpu.memory_space<vmem>> -> memref<128xi32, #tpu.memory_space<vmem>>
    %dma_wait3A_150 = arith.constant 0 : i32
    %dma_wait3A_151 = arith.constant 0 : i32
    %dma_wait3A_152 = tpu.memref_slice %arg3[%dma_wait3A_150, %dma_wait3A_151] : memref<10000x64xf32, #tpu.memory_space<hbm>> -> memref<10000x64xf32, #tpu.memory_space<hbm>>
    tpu.wait_indirect_dma semaphore(%arg10 : memref<!tpu.dma_semaphore, #tpu.memory_space<semaphore_mem>>) src(%dma_wait3A_152 : memref<10000x64xf32, #tpu.memory_space<hbm>>) dst(%dma_wait3A_147 : memref<128x64xf32, #tpu.memory_space<vmem>>)
    %dma_wait3A_153 = arith.constant 512 : i32
    %dma_wait3A_154 = arith.constant 0 : i32
    %dma_wait3A_155 = tpu.memref_slice %arg9[%dma_wait3A_153, %dma_wait3A_154] : memref<640x64xf32, #tpu.memory_space<vmem>> -> memref<128x64xf32, #tpu.memory_space<vmem>>
    %dma_wait3A_156 = arith.constant 512 : i32
    %dma_wait3A_157 = tpu.memref_slice %arg8[%dma_wait3A_156] : memref<640xi32, #tpu.memory_space<vmem>> -> memref<128xi32, #tpu.memory_space<vmem>>
    %dma_wait3A_158 = arith.constant 0 : i32
    %dma_wait3A_159 = arith.constant 0 : i32
    %dma_wait3A_160 = tpu.memref_slice %arg3[%dma_wait3A_158, %dma_wait3A_159] : memref<10000x64xf32, #tpu.memory_space<hbm>> -> memref<10000x64xf32, #tpu.memory_space<hbm>>
    tpu.wait_indirect_dma semaphore(%arg10 : memref<!tpu.dma_semaphore, #tpu.memory_space<semaphore_mem>>) src(%dma_wait3A_160 : memref<10000x64xf32, #tpu.memory_space<hbm>>) dst(%dma_wait3A_155 : memref<128x64xf32, #tpu.memory_space<vmem>>)
    "tpu.region"() ({
      %run_scoped3A = tpu.sem_alloc : memref<!tpu.dma_semaphore, #tpu.memory_space<semaphore_mem>>
      %dma_start3A_161 = arith.constant 0 : i32
      %dma_start3A_162 = tpu.memref_slice %arg7[%mul3A_2, %dma_start3A_161] : memref<20480x64xf32, #tpu.memory_space<hbm>> -> memref<640x64xf32, #tpu.memory_space<hbm>>
      %dma_start3A_163 = arith.constant 0 : i32
      %dma_start3A_164 = tpu.memref_slice %arg7[%mul3A_2, %dma_start3A_163] : memref<20480x64xf32, #tpu.memory_space<hbm>> -> memref<640x64xf32, #tpu.memory_space<hbm>>
      tpu.enqueue_dma source(%arg9 : memref<640x64xf32, #tpu.memory_space<vmem>>) target(%dma_start3A_164 : memref<640x64xf32, #tpu.memory_space<hbm>>) target_semaphore(%run_scoped3A : memref<!tpu.dma_semaphore, #tpu.memory_space<semaphore_mem>>)
      %dma_wait3A_165 = arith.constant 0 : i32
      %dma_wait3A_166 = tpu.memref_slice %arg7[%mul3A_2, %dma_wait3A_165] : memref<20480x64xf32, #tpu.memory_space<hbm>> -> memref<640x64xf32, #tpu.memory_space<hbm>>
      %dma_wait3A_167 = arith.constant 0 : i32
      %dma_wait3A_168 = tpu.memref_slice %arg7[%mul3A_2, %dma_wait3A_167] : memref<20480x64xf32, #tpu.memory_space<hbm>> -> memref<640x64xf32, #tpu.memory_space<hbm>>
      tpu.wait_dma2 semaphore(%run_scoped3A : memref<!tpu.dma_semaphore, #tpu.memory_space<semaphore_mem>>) src(%arg9 : memref<640x64xf32, #tpu.memory_space<vmem>>) dst(%dma_wait3A_168 : memref<640x64xf32, #tpu.memory_space<hbm>>)
      tpu.yield
    }) : () -> ()
    return
  }
}

module attributes {stable_mosaic.version = 14 : i64} {
  func.func @_router_body(%arg0: i32, %arg1: memref<256x64xf32, #tpu.memory_space<vmem>>, %arg2: memref<64x10240xbf16, #tpu.memory_space<vmem>>, %arg3: memref<64x10240xbf16, #tpu.memory_space<vmem>>, %arg4: memref<1x1x256xi32, #tpu.memory_space<vmem>>, %arg5: memref<1x1x256xi32, #tpu.memory_space<vmem>>) attributes {dimension_semantics = [#tpu.dimension_semantics<arbitrary>], iteration_bounds = array<i64: 80>, scalar_prefetch = 0 : i64, scratch_operands = 0 : i64, tpu.core_type = #tpu.core_type<tc>, window_params = [{transform_indices = @transform_0, window_bounds = array<i64: 256, 64>}, {pipeline_mode = #tpu.pipeline_mode<synchronous>, transform_indices = @transform_1, window_bounds = array<i64: 64, 10240>}, {pipeline_mode = #tpu.pipeline_mode<synchronous>, transform_indices = @transform_2, window_bounds = array<i64: 64, 10240>}, {transform_indices = @transform_3, window_bounds = array<i64: 1, 1, 256>}, {transform_indices = @transform_4, window_bounds = array<i64: 1, 1, 256>}]} {
    %get3A = arith.constant 0 : index
    %get3A_0 = arith.constant 0 : index
    %get3A_1 = vector.load %arg1[%get3A, %get3A_0] : memref<256x64xf32, #tpu.memory_space<vmem>>, vector<256x64xf32>
    %convert_element_type3A = arith.truncf %get3A_1 : vector<256x64xf32> to vector<256x64xbf16>
    %iota3A = tpu.iota {dimensions = array<i32: 1>} : vector<256x1024xi32>
    %broadcast_in_dim3A = arith.constant 0xFF800000 : f32
    %broadcast_in_dim3A_2 = vector.broadcast %broadcast_in_dim3A : f32 to vector<256x1xf32>
    %broadcast_in_dim3A_3 = arith.constant 0 : i32
    %broadcast_in_dim3A_4 = vector.broadcast %broadcast_in_dim3A_3 : i32 to vector<256x1xi32>
    %get3A_5 = arith.constant 0 : index
    %get3A_6 = arith.constant 0 : index
    %get3A_7 = vector.load %arg2[%get3A_5, %get3A_6] : memref<64x10240xbf16, #tpu.memory_space<vmem>>, vector<64x1024xbf16>
    %dot_general3A = arith.constant dense<0.000000e+00> : vector<256x1024xf32>
    %dot_general3A_8 = tpu.matmul %convert_element_type3A, %get3A_7, %dot_general3A {dimension_numbers = #tpu.dot_dimension_numbers<[1], [0], [0], [1], [0, 0, 1, 1], [], []>, transpose_lhs_hint = false} : vector<256x64xbf16>, vector<64x1024xbf16>, vector<256x1024xf32> -> vector<256x1024xf32>
    %reduce_max3A = arith.constant dense<0xFF800000> : vector<256xf32>
    %reduce_max3A_9 = vector.multi_reduction <maximumf>, %dot_general3A_8, %reduce_max3A [1] : vector<256x1024xf32> to vector<256xf32>
    %broadcast_in_dim3A_10 = vector.shape_cast %reduce_max3A_9 : vector<256xf32> to vector<256x1xf32>
    %eq3A = vector.broadcast %broadcast_in_dim3A_10 : vector<256x1xf32> to vector<256x1024xf32>
    %eq3A_11 = arith.cmpf oeq, %dot_general3A_8, %eq3A : vector<256x1024xf32>
    %add3A = arith.constant 0 : i32
    %add3A_12 = vector.broadcast %add3A : i32 to vector<256x1024xi32>
    %add3A_13 = arith.addi %iota3A, %add3A_12 : vector<256x1024xi32>
    %jit3A = arith.constant 1073741824 : i32
    %broadcast_in_dim3A_14 = vector.broadcast %jit3A : i32 to vector<256x1024xi32>
    %select_n3A = arith.select %eq3A_11, %add3A_13, %broadcast_in_dim3A_14 : vector<256x1024xi1>, vector<256x1024xi32>
    %reduce_min3A = arith.constant dense<2147483647> : vector<256xi32>
    %reduce_min3A_15 = vector.multi_reduction <minsi>, %select_n3A, %reduce_min3A [1] : vector<256x1024xi32> to vector<256xi32>
    %broadcast_in_dim3A_16 = vector.shape_cast %reduce_min3A_15 : vector<256xi32> to vector<256x1xi32>
    %gt3A = arith.cmpf ogt, %broadcast_in_dim3A_10, %broadcast_in_dim3A_2 : vector<256x1xf32>
    %select_n3A_17 = arith.select %gt3A, %broadcast_in_dim3A_10, %broadcast_in_dim3A_2 : vector<256x1xi1>, vector<256x1xf32>
    %select_n3A_18 = arith.select %gt3A, %broadcast_in_dim3A_16, %broadcast_in_dim3A_4 : vector<256x1xi1>, vector<256x1xi32>
    %get3A_19 = arith.constant 0 : index
    %get3A_20 = arith.constant 0 : index
    %get3A_21 = vector.load %arg3[%get3A_19, %get3A_20] : memref<64x10240xbf16, #tpu.memory_space<vmem>>, vector<64x1024xbf16>
    %dot_general3A_22 = arith.constant dense<0.000000e+00> : vector<256x1024xf32>
    %dot_general3A_23 = tpu.matmul %convert_element_type3A, %get3A_21, %dot_general3A_22 {dimension_numbers = #tpu.dot_dimension_numbers<[1], [0], [0], [1], [0, 0, 1, 1], [], []>, transpose_lhs_hint = false} : vector<256x64xbf16>, vector<64x1024xbf16>, vector<256x1024xf32> -> vector<256x1024xf32>
    %reduce_max3A_24 = arith.constant dense<0xFF800000> : vector<256xf32>
    %reduce_max3A_25 = vector.multi_reduction <maximumf>, %dot_general3A_23, %reduce_max3A_24 [1] : vector<256x1024xf32> to vector<256xf32>
    %broadcast_in_dim3A_26 = vector.shape_cast %reduce_max3A_25 : vector<256xf32> to vector<256x1xf32>
    %eq3A_27 = vector.broadcast %broadcast_in_dim3A_26 : vector<256x1xf32> to vector<256x1024xf32>
    %eq3A_28 = arith.cmpf oeq, %dot_general3A_23, %eq3A_27 : vector<256x1024xf32>
    %add3A_29 = arith.constant 0 : i32
    %add3A_30 = vector.broadcast %add3A_29 : i32 to vector<256x1024xi32>
    %add3A_31 = arith.addi %iota3A, %add3A_30 : vector<256x1024xi32>
    %jit3A_32 = arith.constant 1073741824 : i32
    %broadcast_in_dim3A_33 = vector.broadcast %jit3A_32 : i32 to vector<256x1024xi32>
    %select_n3A_34 = arith.select %eq3A_28, %add3A_31, %broadcast_in_dim3A_33 : vector<256x1024xi1>, vector<256x1024xi32>
    %reduce_min3A_35 = arith.constant dense<2147483647> : vector<256xi32>
    %reduce_min3A_36 = vector.multi_reduction <minsi>, %select_n3A_34, %reduce_min3A_35 [1] : vector<256x1024xi32> to vector<256xi32>
    %broadcast_in_dim3A_37 = vector.shape_cast %reduce_min3A_36 : vector<256xi32> to vector<256x1xi32>
    %gt3A_38 = arith.cmpf ogt, %broadcast_in_dim3A_26, %broadcast_in_dim3A_2 : vector<256x1xf32>
    %select_n3A_39 = arith.select %gt3A_38, %broadcast_in_dim3A_26, %broadcast_in_dim3A_2 : vector<256x1xi1>, vector<256x1xf32>
    %select_n3A_40 = arith.select %gt3A_38, %broadcast_in_dim3A_37, %broadcast_in_dim3A_4 : vector<256x1xi1>, vector<256x1xi32>
    %get3A_41 = arith.constant 0 : index
    %get3A_42 = arith.constant 1024 : index
    %get3A_43 = vector.load %arg2[%get3A_41, %get3A_42] : memref<64x10240xbf16, #tpu.memory_space<vmem>>, vector<64x1024xbf16>
    %dot_general3A_44 = arith.constant dense<0.000000e+00> : vector<256x1024xf32>
    %dot_general3A_45 = tpu.matmul %convert_element_type3A, %get3A_43, %dot_general3A_44 {dimension_numbers = #tpu.dot_dimension_numbers<[1], [0], [0], [1], [0, 0, 1, 1], [], []>, transpose_lhs_hint = false} : vector<256x64xbf16>, vector<64x1024xbf16>, vector<256x1024xf32> -> vector<256x1024xf32>
    %reduce_max3A_46 = arith.constant dense<0xFF800000> : vector<256xf32>
    %reduce_max3A_47 = vector.multi_reduction <maximumf>, %dot_general3A_45, %reduce_max3A_46 [1] : vector<256x1024xf32> to vector<256xf32>
    %broadcast_in_dim3A_48 = vector.shape_cast %reduce_max3A_47 : vector<256xf32> to vector<256x1xf32>
    %eq3A_49 = vector.broadcast %broadcast_in_dim3A_48 : vector<256x1xf32> to vector<256x1024xf32>
    %eq3A_50 = arith.cmpf oeq, %dot_general3A_45, %eq3A_49 : vector<256x1024xf32>
    %add3A_51 = arith.constant 1024 : i32
    %add3A_52 = vector.broadcast %add3A_51 : i32 to vector<256x1024xi32>
    %add3A_53 = arith.addi %iota3A, %add3A_52 : vector<256x1024xi32>
    %jit3A_54 = arith.constant 1073741824 : i32
    %broadcast_in_dim3A_55 = vector.broadcast %jit3A_54 : i32 to vector<256x1024xi32>
    %select_n3A_56 = arith.select %eq3A_50, %add3A_53, %broadcast_in_dim3A_55 : vector<256x1024xi1>, vector<256x1024xi32>
    %reduce_min3A_57 = arith.constant dense<2147483647> : vector<256xi32>
    %reduce_min3A_58 = vector.multi_reduction <minsi>, %select_n3A_56, %reduce_min3A_57 [1] : vector<256x1024xi32> to vector<256xi32>
    %broadcast_in_dim3A_59 = vector.shape_cast %reduce_min3A_58 : vector<256xi32> to vector<256x1xi32>
    %gt3A_60 = arith.cmpf ogt, %broadcast_in_dim3A_48, %select_n3A_17 : vector<256x1xf32>
    %select_n3A_61 = arith.select %gt3A_60, %broadcast_in_dim3A_48, %select_n3A_17 : vector<256x1xi1>, vector<256x1xf32>
    %select_n3A_62 = arith.select %gt3A_60, %broadcast_in_dim3A_59, %select_n3A_18 : vector<256x1xi1>, vector<256x1xi32>
    %get3A_63 = arith.constant 0 : index
    %get3A_64 = arith.constant 1024 : index
    %get3A_65 = vector.load %arg3[%get3A_63, %get3A_64] : memref<64x10240xbf16, #tpu.memory_space<vmem>>, vector<64x1024xbf16>
    %dot_general3A_66 = arith.constant dense<0.000000e+00> : vector<256x1024xf32>
    %dot_general3A_67 = tpu.matmul %convert_element_type3A, %get3A_65, %dot_general3A_66 {dimension_numbers = #tpu.dot_dimension_numbers<[1], [0], [0], [1], [0, 0, 1, 1], [], []>, transpose_lhs_hint = false} : vector<256x64xbf16>, vector<64x1024xbf16>, vector<256x1024xf32> -> vector<256x1024xf32>
    %reduce_max3A_68 = arith.constant dense<0xFF800000> : vector<256xf32>
    %reduce_max3A_69 = vector.multi_reduction <maximumf>, %dot_general3A_67, %reduce_max3A_68 [1] : vector<256x1024xf32> to vector<256xf32>
    %broadcast_in_dim3A_70 = vector.shape_cast %reduce_max3A_69 : vector<256xf32> to vector<256x1xf32>
    %eq3A_71 = vector.broadcast %broadcast_in_dim3A_70 : vector<256x1xf32> to vector<256x1024xf32>
    %eq3A_72 = arith.cmpf oeq, %dot_general3A_67, %eq3A_71 : vector<256x1024xf32>
    %add3A_73 = arith.constant 1024 : i32
    %add3A_74 = vector.broadcast %add3A_73 : i32 to vector<256x1024xi32>
    %add3A_75 = arith.addi %iota3A, %add3A_74 : vector<256x1024xi32>
    %jit3A_76 = arith.constant 1073741824 : i32
    %broadcast_in_dim3A_77 = vector.broadcast %jit3A_76 : i32 to vector<256x1024xi32>
    %select_n3A_78 = arith.select %eq3A_72, %add3A_75, %broadcast_in_dim3A_77 : vector<256x1024xi1>, vector<256x1024xi32>
    %reduce_min3A_79 = arith.constant dense<2147483647> : vector<256xi32>
    %reduce_min3A_80 = vector.multi_reduction <minsi>, %select_n3A_78, %reduce_min3A_79 [1] : vector<256x1024xi32> to vector<256xi32>
    %broadcast_in_dim3A_81 = vector.shape_cast %reduce_min3A_80 : vector<256xi32> to vector<256x1xi32>
    %gt3A_82 = arith.cmpf ogt, %broadcast_in_dim3A_70, %select_n3A_39 : vector<256x1xf32>
    %select_n3A_83 = arith.select %gt3A_82, %broadcast_in_dim3A_70, %select_n3A_39 : vector<256x1xi1>, vector<256x1xf32>
    %select_n3A_84 = arith.select %gt3A_82, %broadcast_in_dim3A_81, %select_n3A_40 : vector<256x1xi1>, vector<256x1xi32>
    %get3A_85 = arith.constant 0 : index
    %get3A_86 = arith.constant 2048 : index
    %get3A_87 = vector.load %arg2[%get3A_85, %get3A_86] : memref<64x10240xbf16, #tpu.memory_space<vmem>>, vector<64x1024xbf16>
    %dot_general3A_88 = arith.constant dense<0.000000e+00> : vector<256x1024xf32>
    %dot_general3A_89 = tpu.matmul %convert_element_type3A, %get3A_87, %dot_general3A_88 {dimension_numbers = #tpu.dot_dimension_numbers<[1], [0], [0], [1], [0, 0, 1, 1], [], []>, transpose_lhs_hint = false} : vector<256x64xbf16>, vector<64x1024xbf16>, vector<256x1024xf32> -> vector<256x1024xf32>
    %reduce_max3A_90 = arith.constant dense<0xFF800000> : vector<256xf32>
    %reduce_max3A_91 = vector.multi_reduction <maximumf>, %dot_general3A_89, %reduce_max3A_90 [1] : vector<256x1024xf32> to vector<256xf32>
    %broadcast_in_dim3A_92 = vector.shape_cast %reduce_max3A_91 : vector<256xf32> to vector<256x1xf32>
    %eq3A_93 = vector.broadcast %broadcast_in_dim3A_92 : vector<256x1xf32> to vector<256x1024xf32>
    %eq3A_94 = arith.cmpf oeq, %dot_general3A_89, %eq3A_93 : vector<256x1024xf32>
    %add3A_95 = arith.constant 2048 : i32
    %add3A_96 = vector.broadcast %add3A_95 : i32 to vector<256x1024xi32>
    %add3A_97 = arith.addi %iota3A, %add3A_96 : vector<256x1024xi32>
    %jit3A_98 = arith.constant 1073741824 : i32
    %broadcast_in_dim3A_99 = vector.broadcast %jit3A_98 : i32 to vector<256x1024xi32>
    %select_n3A_100 = arith.select %eq3A_94, %add3A_97, %broadcast_in_dim3A_99 : vector<256x1024xi1>, vector<256x1024xi32>
    %reduce_min3A_101 = arith.constant dense<2147483647> : vector<256xi32>
    %reduce_min3A_102 = vector.multi_reduction <minsi>, %select_n3A_100, %reduce_min3A_101 [1] : vector<256x1024xi32> to vector<256xi32>
    %broadcast_in_dim3A_103 = vector.shape_cast %reduce_min3A_102 : vector<256xi32> to vector<256x1xi32>
    %gt3A_104 = arith.cmpf ogt, %broadcast_in_dim3A_92, %select_n3A_61 : vector<256x1xf32>
    %select_n3A_105 = arith.select %gt3A_104, %broadcast_in_dim3A_92, %select_n3A_61 : vector<256x1xi1>, vector<256x1xf32>
    %select_n3A_106 = arith.select %gt3A_104, %broadcast_in_dim3A_103, %select_n3A_62 : vector<256x1xi1>, vector<256x1xi32>
    %get3A_107 = arith.constant 0 : index
    %get3A_108 = arith.constant 2048 : index
    %get3A_109 = vector.load %arg3[%get3A_107, %get3A_108] : memref<64x10240xbf16, #tpu.memory_space<vmem>>, vector<64x1024xbf16>
    %dot_general3A_110 = arith.constant dense<0.000000e+00> : vector<256x1024xf32>
    %dot_general3A_111 = tpu.matmul %convert_element_type3A, %get3A_109, %dot_general3A_110 {dimension_numbers = #tpu.dot_dimension_numbers<[1], [0], [0], [1], [0, 0, 1, 1], [], []>, transpose_lhs_hint = false} : vector<256x64xbf16>, vector<64x1024xbf16>, vector<256x1024xf32> -> vector<256x1024xf32>
    %reduce_max3A_112 = arith.constant dense<0xFF800000> : vector<256xf32>
    %reduce_max3A_113 = vector.multi_reduction <maximumf>, %dot_general3A_111, %reduce_max3A_112 [1] : vector<256x1024xf32> to vector<256xf32>
    %broadcast_in_dim3A_114 = vector.shape_cast %reduce_max3A_113 : vector<256xf32> to vector<256x1xf32>
    %eq3A_115 = vector.broadcast %broadcast_in_dim3A_114 : vector<256x1xf32> to vector<256x1024xf32>
    %eq3A_116 = arith.cmpf oeq, %dot_general3A_111, %eq3A_115 : vector<256x1024xf32>
    %add3A_117 = arith.constant 2048 : i32
    %add3A_118 = vector.broadcast %add3A_117 : i32 to vector<256x1024xi32>
    %add3A_119 = arith.addi %iota3A, %add3A_118 : vector<256x1024xi32>
    %jit3A_120 = arith.constant 1073741824 : i32
    %broadcast_in_dim3A_121 = vector.broadcast %jit3A_120 : i32 to vector<256x1024xi32>
    %select_n3A_122 = arith.select %eq3A_116, %add3A_119, %broadcast_in_dim3A_121 : vector<256x1024xi1>, vector<256x1024xi32>
    %reduce_min3A_123 = arith.constant dense<2147483647> : vector<256xi32>
    %reduce_min3A_124 = vector.multi_reduction <minsi>, %select_n3A_122, %reduce_min3A_123 [1] : vector<256x1024xi32> to vector<256xi32>
    %broadcast_in_dim3A_125 = vector.shape_cast %reduce_min3A_124 : vector<256xi32> to vector<256x1xi32>
    %gt3A_126 = arith.cmpf ogt, %broadcast_in_dim3A_114, %select_n3A_83 : vector<256x1xf32>
    %select_n3A_127 = arith.select %gt3A_126, %broadcast_in_dim3A_114, %select_n3A_83 : vector<256x1xi1>, vector<256x1xf32>
    %select_n3A_128 = arith.select %gt3A_126, %broadcast_in_dim3A_125, %select_n3A_84 : vector<256x1xi1>, vector<256x1xi32>
    %get3A_129 = arith.constant 0 : index
    %get3A_130 = arith.constant 3072 : index
    %get3A_131 = vector.load %arg2[%get3A_129, %get3A_130] : memref<64x10240xbf16, #tpu.memory_space<vmem>>, vector<64x1024xbf16>
    %dot_general3A_132 = arith.constant dense<0.000000e+00> : vector<256x1024xf32>
    %dot_general3A_133 = tpu.matmul %convert_element_type3A, %get3A_131, %dot_general3A_132 {dimension_numbers = #tpu.dot_dimension_numbers<[1], [0], [0], [1], [0, 0, 1, 1], [], []>, transpose_lhs_hint = false} : vector<256x64xbf16>, vector<64x1024xbf16>, vector<256x1024xf32> -> vector<256x1024xf32>
    %reduce_max3A_134 = arith.constant dense<0xFF800000> : vector<256xf32>
    %reduce_max3A_135 = vector.multi_reduction <maximumf>, %dot_general3A_133, %reduce_max3A_134 [1] : vector<256x1024xf32> to vector<256xf32>
    %broadcast_in_dim3A_136 = vector.shape_cast %reduce_max3A_135 : vector<256xf32> to vector<256x1xf32>
    %eq3A_137 = vector.broadcast %broadcast_in_dim3A_136 : vector<256x1xf32> to vector<256x1024xf32>
    %eq3A_138 = arith.cmpf oeq, %dot_general3A_133, %eq3A_137 : vector<256x1024xf32>
    %add3A_139 = arith.constant 3072 : i32
    %add3A_140 = vector.broadcast %add3A_139 : i32 to vector<256x1024xi32>
    %add3A_141 = arith.addi %iota3A, %add3A_140 : vector<256x1024xi32>
    %jit3A_142 = arith.constant 1073741824 : i32
    %broadcast_in_dim3A_143 = vector.broadcast %jit3A_142 : i32 to vector<256x1024xi32>
    %select_n3A_144 = arith.select %eq3A_138, %add3A_141, %broadcast_in_dim3A_143 : vector<256x1024xi1>, vector<256x1024xi32>
    %reduce_min3A_145 = arith.constant dense<2147483647> : vector<256xi32>
    %reduce_min3A_146 = vector.multi_reduction <minsi>, %select_n3A_144, %reduce_min3A_145 [1] : vector<256x1024xi32> to vector<256xi32>
    %broadcast_in_dim3A_147 = vector.shape_cast %reduce_min3A_146 : vector<256xi32> to vector<256x1xi32>
    %gt3A_148 = arith.cmpf ogt, %broadcast_in_dim3A_136, %select_n3A_105 : vector<256x1xf32>
    %select_n3A_149 = arith.select %gt3A_148, %broadcast_in_dim3A_136, %select_n3A_105 : vector<256x1xi1>, vector<256x1xf32>
    %select_n3A_150 = arith.select %gt3A_148, %broadcast_in_dim3A_147, %select_n3A_106 : vector<256x1xi1>, vector<256x1xi32>
    %get3A_151 = arith.constant 0 : index
    %get3A_152 = arith.constant 3072 : index
    %get3A_153 = vector.load %arg3[%get3A_151, %get3A_152] : memref<64x10240xbf16, #tpu.memory_space<vmem>>, vector<64x1024xbf16>
    %dot_general3A_154 = arith.constant dense<0.000000e+00> : vector<256x1024xf32>
    %dot_general3A_155 = tpu.matmul %convert_element_type3A, %get3A_153, %dot_general3A_154 {dimension_numbers = #tpu.dot_dimension_numbers<[1], [0], [0], [1], [0, 0, 1, 1], [], []>, transpose_lhs_hint = false} : vector<256x64xbf16>, vector<64x1024xbf16>, vector<256x1024xf32> -> vector<256x1024xf32>
    %reduce_max3A_156 = arith.constant dense<0xFF800000> : vector<256xf32>
    %reduce_max3A_157 = vector.multi_reduction <maximumf>, %dot_general3A_155, %reduce_max3A_156 [1] : vector<256x1024xf32> to vector<256xf32>
    %broadcast_in_dim3A_158 = vector.shape_cast %reduce_max3A_157 : vector<256xf32> to vector<256x1xf32>
    %eq3A_159 = vector.broadcast %broadcast_in_dim3A_158 : vector<256x1xf32> to vector<256x1024xf32>
    %eq3A_160 = arith.cmpf oeq, %dot_general3A_155, %eq3A_159 : vector<256x1024xf32>
    %add3A_161 = arith.constant 3072 : i32
    %add3A_162 = vector.broadcast %add3A_161 : i32 to vector<256x1024xi32>
    %add3A_163 = arith.addi %iota3A, %add3A_162 : vector<256x1024xi32>
    %jit3A_164 = arith.constant 1073741824 : i32
    %broadcast_in_dim3A_165 = vector.broadcast %jit3A_164 : i32 to vector<256x1024xi32>
    %select_n3A_166 = arith.select %eq3A_160, %add3A_163, %broadcast_in_dim3A_165 : vector<256x1024xi1>, vector<256x1024xi32>
    %reduce_min3A_167 = arith.constant dense<2147483647> : vector<256xi32>
    %reduce_min3A_168 = vector.multi_reduction <minsi>, %select_n3A_166, %reduce_min3A_167 [1] : vector<256x1024xi32> to vector<256xi32>
    %broadcast_in_dim3A_169 = vector.shape_cast %reduce_min3A_168 : vector<256xi32> to vector<256x1xi32>
    %gt3A_170 = arith.cmpf ogt, %broadcast_in_dim3A_158, %select_n3A_127 : vector<256x1xf32>
    %select_n3A_171 = arith.select %gt3A_170, %broadcast_in_dim3A_158, %select_n3A_127 : vector<256x1xi1>, vector<256x1xf32>
    %select_n3A_172 = arith.select %gt3A_170, %broadcast_in_dim3A_169, %select_n3A_128 : vector<256x1xi1>, vector<256x1xi32>
    %get3A_173 = arith.constant 0 : index
    %get3A_174 = arith.constant 4096 : index
    %get3A_175 = vector.load %arg2[%get3A_173, %get3A_174] : memref<64x10240xbf16, #tpu.memory_space<vmem>>, vector<64x1024xbf16>
    %dot_general3A_176 = arith.constant dense<0.000000e+00> : vector<256x1024xf32>
    %dot_general3A_177 = tpu.matmul %convert_element_type3A, %get3A_175, %dot_general3A_176 {dimension_numbers = #tpu.dot_dimension_numbers<[1], [0], [0], [1], [0, 0, 1, 1], [], []>, transpose_lhs_hint = false} : vector<256x64xbf16>, vector<64x1024xbf16>, vector<256x1024xf32> -> vector<256x1024xf32>
    %reduce_max3A_178 = arith.constant dense<0xFF800000> : vector<256xf32>
    %reduce_max3A_179 = vector.multi_reduction <maximumf>, %dot_general3A_177, %reduce_max3A_178 [1] : vector<256x1024xf32> to vector<256xf32>
    %broadcast_in_dim3A_180 = vector.shape_cast %reduce_max3A_179 : vector<256xf32> to vector<256x1xf32>
    %eq3A_181 = vector.broadcast %broadcast_in_dim3A_180 : vector<256x1xf32> to vector<256x1024xf32>
    %eq3A_182 = arith.cmpf oeq, %dot_general3A_177, %eq3A_181 : vector<256x1024xf32>
    %add3A_183 = arith.constant 4096 : i32
    %add3A_184 = vector.broadcast %add3A_183 : i32 to vector<256x1024xi32>
    %add3A_185 = arith.addi %iota3A, %add3A_184 : vector<256x1024xi32>
    %jit3A_186 = arith.constant 1073741824 : i32
    %broadcast_in_dim3A_187 = vector.broadcast %jit3A_186 : i32 to vector<256x1024xi32>
    %select_n3A_188 = arith.select %eq3A_182, %add3A_185, %broadcast_in_dim3A_187 : vector<256x1024xi1>, vector<256x1024xi32>
    %reduce_min3A_189 = arith.constant dense<2147483647> : vector<256xi32>
    %reduce_min3A_190 = vector.multi_reduction <minsi>, %select_n3A_188, %reduce_min3A_189 [1] : vector<256x1024xi32> to vector<256xi32>
    %broadcast_in_dim3A_191 = vector.shape_cast %reduce_min3A_190 : vector<256xi32> to vector<256x1xi32>
    %gt3A_192 = arith.cmpf ogt, %broadcast_in_dim3A_180, %select_n3A_149 : vector<256x1xf32>
    %select_n3A_193 = arith.select %gt3A_192, %broadcast_in_dim3A_180, %select_n3A_149 : vector<256x1xi1>, vector<256x1xf32>
    %select_n3A_194 = arith.select %gt3A_192, %broadcast_in_dim3A_191, %select_n3A_150 : vector<256x1xi1>, vector<256x1xi32>
    %get3A_195 = arith.constant 0 : index
    %get3A_196 = arith.constant 4096 : index
    %get3A_197 = vector.load %arg3[%get3A_195, %get3A_196] : memref<64x10240xbf16, #tpu.memory_space<vmem>>, vector<64x1024xbf16>
    %dot_general3A_198 = arith.constant dense<0.000000e+00> : vector<256x1024xf32>
    %dot_general3A_199 = tpu.matmul %convert_element_type3A, %get3A_197, %dot_general3A_198 {dimension_numbers = #tpu.dot_dimension_numbers<[1], [0], [0], [1], [0, 0, 1, 1], [], []>, transpose_lhs_hint = false} : vector<256x64xbf16>, vector<64x1024xbf16>, vector<256x1024xf32> -> vector<256x1024xf32>
    %reduce_max3A_200 = arith.constant dense<0xFF800000> : vector<256xf32>
    %reduce_max3A_201 = vector.multi_reduction <maximumf>, %dot_general3A_199, %reduce_max3A_200 [1] : vector<256x1024xf32> to vector<256xf32>
    %broadcast_in_dim3A_202 = vector.shape_cast %reduce_max3A_201 : vector<256xf32> to vector<256x1xf32>
    %eq3A_203 = vector.broadcast %broadcast_in_dim3A_202 : vector<256x1xf32> to vector<256x1024xf32>
    %eq3A_204 = arith.cmpf oeq, %dot_general3A_199, %eq3A_203 : vector<256x1024xf32>
    %add3A_205 = arith.constant 4096 : i32
    %add3A_206 = vector.broadcast %add3A_205 : i32 to vector<256x1024xi32>
    %add3A_207 = arith.addi %iota3A, %add3A_206 : vector<256x1024xi32>
    %jit3A_208 = arith.constant 1073741824 : i32
    %broadcast_in_dim3A_209 = vector.broadcast %jit3A_208 : i32 to vector<256x1024xi32>
    %select_n3A_210 = arith.select %eq3A_204, %add3A_207, %broadcast_in_dim3A_209 : vector<256x1024xi1>, vector<256x1024xi32>
    %reduce_min3A_211 = arith.constant dense<2147483647> : vector<256xi32>
    %reduce_min3A_212 = vector.multi_reduction <minsi>, %select_n3A_210, %reduce_min3A_211 [1] : vector<256x1024xi32> to vector<256xi32>
    %broadcast_in_dim3A_213 = vector.shape_cast %reduce_min3A_212 : vector<256xi32> to vector<256x1xi32>
    %gt3A_214 = arith.cmpf ogt, %broadcast_in_dim3A_202, %select_n3A_171 : vector<256x1xf32>
    %select_n3A_215 = arith.select %gt3A_214, %broadcast_in_dim3A_202, %select_n3A_171 : vector<256x1xi1>, vector<256x1xf32>
    %select_n3A_216 = arith.select %gt3A_214, %broadcast_in_dim3A_213, %select_n3A_172 : vector<256x1xi1>, vector<256x1xi32>
    %get3A_217 = arith.constant 0 : index
    %get3A_218 = arith.constant 5120 : index
    %get3A_219 = vector.load %arg2[%get3A_217, %get3A_218] : memref<64x10240xbf16, #tpu.memory_space<vmem>>, vector<64x1024xbf16>
    %dot_general3A_220 = arith.constant dense<0.000000e+00> : vector<256x1024xf32>
    %dot_general3A_221 = tpu.matmul %convert_element_type3A, %get3A_219, %dot_general3A_220 {dimension_numbers = #tpu.dot_dimension_numbers<[1], [0], [0], [1], [0, 0, 1, 1], [], []>, transpose_lhs_hint = false} : vector<256x64xbf16>, vector<64x1024xbf16>, vector<256x1024xf32> -> vector<256x1024xf32>
    %reduce_max3A_222 = arith.constant dense<0xFF800000> : vector<256xf32>
    %reduce_max3A_223 = vector.multi_reduction <maximumf>, %dot_general3A_221, %reduce_max3A_222 [1] : vector<256x1024xf32> to vector<256xf32>
    %broadcast_in_dim3A_224 = vector.shape_cast %reduce_max3A_223 : vector<256xf32> to vector<256x1xf32>
    %eq3A_225 = vector.broadcast %broadcast_in_dim3A_224 : vector<256x1xf32> to vector<256x1024xf32>
    %eq3A_226 = arith.cmpf oeq, %dot_general3A_221, %eq3A_225 : vector<256x1024xf32>
    %add3A_227 = arith.constant 5120 : i32
    %add3A_228 = vector.broadcast %add3A_227 : i32 to vector<256x1024xi32>
    %add3A_229 = arith.addi %iota3A, %add3A_228 : vector<256x1024xi32>
    %jit3A_230 = arith.constant 1073741824 : i32
    %broadcast_in_dim3A_231 = vector.broadcast %jit3A_230 : i32 to vector<256x1024xi32>
    %select_n3A_232 = arith.select %eq3A_226, %add3A_229, %broadcast_in_dim3A_231 : vector<256x1024xi1>, vector<256x1024xi32>
    %reduce_min3A_233 = arith.constant dense<2147483647> : vector<256xi32>
    %reduce_min3A_234 = vector.multi_reduction <minsi>, %select_n3A_232, %reduce_min3A_233 [1] : vector<256x1024xi32> to vector<256xi32>
    %broadcast_in_dim3A_235 = vector.shape_cast %reduce_min3A_234 : vector<256xi32> to vector<256x1xi32>
    %gt3A_236 = arith.cmpf ogt, %broadcast_in_dim3A_224, %select_n3A_193 : vector<256x1xf32>
    %select_n3A_237 = arith.select %gt3A_236, %broadcast_in_dim3A_224, %select_n3A_193 : vector<256x1xi1>, vector<256x1xf32>
    %select_n3A_238 = arith.select %gt3A_236, %broadcast_in_dim3A_235, %select_n3A_194 : vector<256x1xi1>, vector<256x1xi32>
    %get3A_239 = arith.constant 0 : index
    %get3A_240 = arith.constant 5120 : index
    %get3A_241 = vector.load %arg3[%get3A_239, %get3A_240] : memref<64x10240xbf16, #tpu.memory_space<vmem>>, vector<64x1024xbf16>
    %dot_general3A_242 = arith.constant dense<0.000000e+00> : vector<256x1024xf32>
    %dot_general3A_243 = tpu.matmul %convert_element_type3A, %get3A_241, %dot_general3A_242 {dimension_numbers = #tpu.dot_dimension_numbers<[1], [0], [0], [1], [0, 0, 1, 1], [], []>, transpose_lhs_hint = false} : vector<256x64xbf16>, vector<64x1024xbf16>, vector<256x1024xf32> -> vector<256x1024xf32>
    %reduce_max3A_244 = arith.constant dense<0xFF800000> : vector<256xf32>
    %reduce_max3A_245 = vector.multi_reduction <maximumf>, %dot_general3A_243, %reduce_max3A_244 [1] : vector<256x1024xf32> to vector<256xf32>
    %broadcast_in_dim3A_246 = vector.shape_cast %reduce_max3A_245 : vector<256xf32> to vector<256x1xf32>
    %eq3A_247 = vector.broadcast %broadcast_in_dim3A_246 : vector<256x1xf32> to vector<256x1024xf32>
    %eq3A_248 = arith.cmpf oeq, %dot_general3A_243, %eq3A_247 : vector<256x1024xf32>
    %add3A_249 = arith.constant 5120 : i32
    %add3A_250 = vector.broadcast %add3A_249 : i32 to vector<256x1024xi32>
    %add3A_251 = arith.addi %iota3A, %add3A_250 : vector<256x1024xi32>
    %jit3A_252 = arith.constant 1073741824 : i32
    %broadcast_in_dim3A_253 = vector.broadcast %jit3A_252 : i32 to vector<256x1024xi32>
    %select_n3A_254 = arith.select %eq3A_248, %add3A_251, %broadcast_in_dim3A_253 : vector<256x1024xi1>, vector<256x1024xi32>
    %reduce_min3A_255 = arith.constant dense<2147483647> : vector<256xi32>
    %reduce_min3A_256 = vector.multi_reduction <minsi>, %select_n3A_254, %reduce_min3A_255 [1] : vector<256x1024xi32> to vector<256xi32>
    %broadcast_in_dim3A_257 = vector.shape_cast %reduce_min3A_256 : vector<256xi32> to vector<256x1xi32>
    %gt3A_258 = arith.cmpf ogt, %broadcast_in_dim3A_246, %select_n3A_215 : vector<256x1xf32>
    %select_n3A_259 = arith.select %gt3A_258, %broadcast_in_dim3A_246, %select_n3A_215 : vector<256x1xi1>, vector<256x1xf32>
    %select_n3A_260 = arith.select %gt3A_258, %broadcast_in_dim3A_257, %select_n3A_216 : vector<256x1xi1>, vector<256x1xi32>
    %get3A_261 = arith.constant 0 : index
    %get3A_262 = arith.constant 6144 : index
    %get3A_263 = vector.load %arg2[%get3A_261, %get3A_262] : memref<64x10240xbf16, #tpu.memory_space<vmem>>, vector<64x1024xbf16>
    %dot_general3A_264 = arith.constant dense<0.000000e+00> : vector<256x1024xf32>
    %dot_general3A_265 = tpu.matmul %convert_element_type3A, %get3A_263, %dot_general3A_264 {dimension_numbers = #tpu.dot_dimension_numbers<[1], [0], [0], [1], [0, 0, 1, 1], [], []>, transpose_lhs_hint = false} : vector<256x64xbf16>, vector<64x1024xbf16>, vector<256x1024xf32> -> vector<256x1024xf32>
    %reduce_max3A_266 = arith.constant dense<0xFF800000> : vector<256xf32>
    %reduce_max3A_267 = vector.multi_reduction <maximumf>, %dot_general3A_265, %reduce_max3A_266 [1] : vector<256x1024xf32> to vector<256xf32>
    %broadcast_in_dim3A_268 = vector.shape_cast %reduce_max3A_267 : vector<256xf32> to vector<256x1xf32>
    %eq3A_269 = vector.broadcast %broadcast_in_dim3A_268 : vector<256x1xf32> to vector<256x1024xf32>
    %eq3A_270 = arith.cmpf oeq, %dot_general3A_265, %eq3A_269 : vector<256x1024xf32>
    %add3A_271 = arith.constant 6144 : i32
    %add3A_272 = vector.broadcast %add3A_271 : i32 to vector<256x1024xi32>
    %add3A_273 = arith.addi %iota3A, %add3A_272 : vector<256x1024xi32>
    %jit3A_274 = arith.constant 1073741824 : i32
    %broadcast_in_dim3A_275 = vector.broadcast %jit3A_274 : i32 to vector<256x1024xi32>
    %select_n3A_276 = arith.select %eq3A_270, %add3A_273, %broadcast_in_dim3A_275 : vector<256x1024xi1>, vector<256x1024xi32>
    %reduce_min3A_277 = arith.constant dense<2147483647> : vector<256xi32>
    %reduce_min3A_278 = vector.multi_reduction <minsi>, %select_n3A_276, %reduce_min3A_277 [1] : vector<256x1024xi32> to vector<256xi32>
    %broadcast_in_dim3A_279 = vector.shape_cast %reduce_min3A_278 : vector<256xi32> to vector<256x1xi32>
    %gt3A_280 = arith.cmpf ogt, %broadcast_in_dim3A_268, %select_n3A_237 : vector<256x1xf32>
    %select_n3A_281 = arith.select %gt3A_280, %broadcast_in_dim3A_268, %select_n3A_237 : vector<256x1xi1>, vector<256x1xf32>
    %select_n3A_282 = arith.select %gt3A_280, %broadcast_in_dim3A_279, %select_n3A_238 : vector<256x1xi1>, vector<256x1xi32>
    %get3A_283 = arith.constant 0 : index
    %get3A_284 = arith.constant 6144 : index
    %get3A_285 = vector.load %arg3[%get3A_283, %get3A_284] : memref<64x10240xbf16, #tpu.memory_space<vmem>>, vector<64x1024xbf16>
    %dot_general3A_286 = arith.constant dense<0.000000e+00> : vector<256x1024xf32>
    %dot_general3A_287 = tpu.matmul %convert_element_type3A, %get3A_285, %dot_general3A_286 {dimension_numbers = #tpu.dot_dimension_numbers<[1], [0], [0], [1], [0, 0, 1, 1], [], []>, transpose_lhs_hint = false} : vector<256x64xbf16>, vector<64x1024xbf16>, vector<256x1024xf32> -> vector<256x1024xf32>
    %reduce_max3A_288 = arith.constant dense<0xFF800000> : vector<256xf32>
    %reduce_max3A_289 = vector.multi_reduction <maximumf>, %dot_general3A_287, %reduce_max3A_288 [1] : vector<256x1024xf32> to vector<256xf32>
    %broadcast_in_dim3A_290 = vector.shape_cast %reduce_max3A_289 : vector<256xf32> to vector<256x1xf32>
    %eq3A_291 = vector.broadcast %broadcast_in_dim3A_290 : vector<256x1xf32> to vector<256x1024xf32>
    %eq3A_292 = arith.cmpf oeq, %dot_general3A_287, %eq3A_291 : vector<256x1024xf32>
    %add3A_293 = arith.constant 6144 : i32
    %add3A_294 = vector.broadcast %add3A_293 : i32 to vector<256x1024xi32>
    %add3A_295 = arith.addi %iota3A, %add3A_294 : vector<256x1024xi32>
    %jit3A_296 = arith.constant 1073741824 : i32
    %broadcast_in_dim3A_297 = vector.broadcast %jit3A_296 : i32 to vector<256x1024xi32>
    %select_n3A_298 = arith.select %eq3A_292, %add3A_295, %broadcast_in_dim3A_297 : vector<256x1024xi1>, vector<256x1024xi32>
    %reduce_min3A_299 = arith.constant dense<2147483647> : vector<256xi32>
    %reduce_min3A_300 = vector.multi_reduction <minsi>, %select_n3A_298, %reduce_min3A_299 [1] : vector<256x1024xi32> to vector<256xi32>
    %broadcast_in_dim3A_301 = vector.shape_cast %reduce_min3A_300 : vector<256xi32> to vector<256x1xi32>
    %gt3A_302 = arith.cmpf ogt, %broadcast_in_dim3A_290, %select_n3A_259 : vector<256x1xf32>
    %select_n3A_303 = arith.select %gt3A_302, %broadcast_in_dim3A_290, %select_n3A_259 : vector<256x1xi1>, vector<256x1xf32>
    %select_n3A_304 = arith.select %gt3A_302, %broadcast_in_dim3A_301, %select_n3A_260 : vector<256x1xi1>, vector<256x1xi32>
    %get3A_305 = arith.constant 0 : index
    %get3A_306 = arith.constant 7168 : index
    %get3A_307 = vector.load %arg2[%get3A_305, %get3A_306] : memref<64x10240xbf16, #tpu.memory_space<vmem>>, vector<64x1024xbf16>
    %dot_general3A_308 = arith.constant dense<0.000000e+00> : vector<256x1024xf32>
    %dot_general3A_309 = tpu.matmul %convert_element_type3A, %get3A_307, %dot_general3A_308 {dimension_numbers = #tpu.dot_dimension_numbers<[1], [0], [0], [1], [0, 0, 1, 1], [], []>, transpose_lhs_hint = false} : vector<256x64xbf16>, vector<64x1024xbf16>, vector<256x1024xf32> -> vector<256x1024xf32>
    %reduce_max3A_310 = arith.constant dense<0xFF800000> : vector<256xf32>
    %reduce_max3A_311 = vector.multi_reduction <maximumf>, %dot_general3A_309, %reduce_max3A_310 [1] : vector<256x1024xf32> to vector<256xf32>
    %broadcast_in_dim3A_312 = vector.shape_cast %reduce_max3A_311 : vector<256xf32> to vector<256x1xf32>
    %eq3A_313 = vector.broadcast %broadcast_in_dim3A_312 : vector<256x1xf32> to vector<256x1024xf32>
    %eq3A_314 = arith.cmpf oeq, %dot_general3A_309, %eq3A_313 : vector<256x1024xf32>
    %add3A_315 = arith.constant 7168 : i32
    %add3A_316 = vector.broadcast %add3A_315 : i32 to vector<256x1024xi32>
    %add3A_317 = arith.addi %iota3A, %add3A_316 : vector<256x1024xi32>
    %jit3A_318 = arith.constant 1073741824 : i32
    %broadcast_in_dim3A_319 = vector.broadcast %jit3A_318 : i32 to vector<256x1024xi32>
    %select_n3A_320 = arith.select %eq3A_314, %add3A_317, %broadcast_in_dim3A_319 : vector<256x1024xi1>, vector<256x1024xi32>
    %reduce_min3A_321 = arith.constant dense<2147483647> : vector<256xi32>
    %reduce_min3A_322 = vector.multi_reduction <minsi>, %select_n3A_320, %reduce_min3A_321 [1] : vector<256x1024xi32> to vector<256xi32>
    %broadcast_in_dim3A_323 = vector.shape_cast %reduce_min3A_322 : vector<256xi32> to vector<256x1xi32>
    %gt3A_324 = arith.cmpf ogt, %broadcast_in_dim3A_312, %select_n3A_281 : vector<256x1xf32>
    %select_n3A_325 = arith.select %gt3A_324, %broadcast_in_dim3A_312, %select_n3A_281 : vector<256x1xi1>, vector<256x1xf32>
    %select_n3A_326 = arith.select %gt3A_324, %broadcast_in_dim3A_323, %select_n3A_282 : vector<256x1xi1>, vector<256x1xi32>
    %get3A_327 = arith.constant 0 : index
    %get3A_328 = arith.constant 7168 : index
    %get3A_329 = vector.load %arg3[%get3A_327, %get3A_328] : memref<64x10240xbf16, #tpu.memory_space<vmem>>, vector<64x1024xbf16>
    %dot_general3A_330 = arith.constant dense<0.000000e+00> : vector<256x1024xf32>
    %dot_general3A_331 = tpu.matmul %convert_element_type3A, %get3A_329, %dot_general3A_330 {dimension_numbers = #tpu.dot_dimension_numbers<[1], [0], [0], [1], [0, 0, 1, 1], [], []>, transpose_lhs_hint = false} : vector<256x64xbf16>, vector<64x1024xbf16>, vector<256x1024xf32> -> vector<256x1024xf32>
    %reduce_max3A_332 = arith.constant dense<0xFF800000> : vector<256xf32>
    %reduce_max3A_333 = vector.multi_reduction <maximumf>, %dot_general3A_331, %reduce_max3A_332 [1] : vector<256x1024xf32> to vector<256xf32>
    %broadcast_in_dim3A_334 = vector.shape_cast %reduce_max3A_333 : vector<256xf32> to vector<256x1xf32>
    %eq3A_335 = vector.broadcast %broadcast_in_dim3A_334 : vector<256x1xf32> to vector<256x1024xf32>
    %eq3A_336 = arith.cmpf oeq, %dot_general3A_331, %eq3A_335 : vector<256x1024xf32>
    %add3A_337 = arith.constant 7168 : i32
    %add3A_338 = vector.broadcast %add3A_337 : i32 to vector<256x1024xi32>
    %add3A_339 = arith.addi %iota3A, %add3A_338 : vector<256x1024xi32>
    %jit3A_340 = arith.constant 1073741824 : i32
    %broadcast_in_dim3A_341 = vector.broadcast %jit3A_340 : i32 to vector<256x1024xi32>
    %select_n3A_342 = arith.select %eq3A_336, %add3A_339, %broadcast_in_dim3A_341 : vector<256x1024xi1>, vector<256x1024xi32>
    %reduce_min3A_343 = arith.constant dense<2147483647> : vector<256xi32>
    %reduce_min3A_344 = vector.multi_reduction <minsi>, %select_n3A_342, %reduce_min3A_343 [1] : vector<256x1024xi32> to vector<256xi32>
    %broadcast_in_dim3A_345 = vector.shape_cast %reduce_min3A_344 : vector<256xi32> to vector<256x1xi32>
    %gt3A_346 = arith.cmpf ogt, %broadcast_in_dim3A_334, %select_n3A_303 : vector<256x1xf32>
    %select_n3A_347 = arith.select %gt3A_346, %broadcast_in_dim3A_334, %select_n3A_303 : vector<256x1xi1>, vector<256x1xf32>
    %select_n3A_348 = arith.select %gt3A_346, %broadcast_in_dim3A_345, %select_n3A_304 : vector<256x1xi1>, vector<256x1xi32>
    %get3A_349 = arith.constant 0 : index
    %get3A_350 = arith.constant 8192 : index
    %get3A_351 = vector.load %arg2[%get3A_349, %get3A_350] : memref<64x10240xbf16, #tpu.memory_space<vmem>>, vector<64x1024xbf16>
    %dot_general3A_352 = arith.constant dense<0.000000e+00> : vector<256x1024xf32>
    %dot_general3A_353 = tpu.matmul %convert_element_type3A, %get3A_351, %dot_general3A_352 {dimension_numbers = #tpu.dot_dimension_numbers<[1], [0], [0], [1], [0, 0, 1, 1], [], []>, transpose_lhs_hint = false} : vector<256x64xbf16>, vector<64x1024xbf16>, vector<256x1024xf32> -> vector<256x1024xf32>
    %reduce_max3A_354 = arith.constant dense<0xFF800000> : vector<256xf32>
    %reduce_max3A_355 = vector.multi_reduction <maximumf>, %dot_general3A_353, %reduce_max3A_354 [1] : vector<256x1024xf32> to vector<256xf32>
    %broadcast_in_dim3A_356 = vector.shape_cast %reduce_max3A_355 : vector<256xf32> to vector<256x1xf32>
    %eq3A_357 = vector.broadcast %broadcast_in_dim3A_356 : vector<256x1xf32> to vector<256x1024xf32>
    %eq3A_358 = arith.cmpf oeq, %dot_general3A_353, %eq3A_357 : vector<256x1024xf32>
    %add3A_359 = arith.constant 8192 : i32
    %add3A_360 = vector.broadcast %add3A_359 : i32 to vector<256x1024xi32>
    %add3A_361 = arith.addi %iota3A, %add3A_360 : vector<256x1024xi32>
    %jit3A_362 = arith.constant 1073741824 : i32
    %broadcast_in_dim3A_363 = vector.broadcast %jit3A_362 : i32 to vector<256x1024xi32>
    %select_n3A_364 = arith.select %eq3A_358, %add3A_361, %broadcast_in_dim3A_363 : vector<256x1024xi1>, vector<256x1024xi32>
    %reduce_min3A_365 = arith.constant dense<2147483647> : vector<256xi32>
    %reduce_min3A_366 = vector.multi_reduction <minsi>, %select_n3A_364, %reduce_min3A_365 [1] : vector<256x1024xi32> to vector<256xi32>
    %broadcast_in_dim3A_367 = vector.shape_cast %reduce_min3A_366 : vector<256xi32> to vector<256x1xi32>
    %gt3A_368 = arith.cmpf ogt, %broadcast_in_dim3A_356, %select_n3A_325 : vector<256x1xf32>
    %select_n3A_369 = arith.select %gt3A_368, %broadcast_in_dim3A_356, %select_n3A_325 : vector<256x1xi1>, vector<256x1xf32>
    %select_n3A_370 = arith.select %gt3A_368, %broadcast_in_dim3A_367, %select_n3A_326 : vector<256x1xi1>, vector<256x1xi32>
    %get3A_371 = arith.constant 0 : index
    %get3A_372 = arith.constant 8192 : index
    %get3A_373 = vector.load %arg3[%get3A_371, %get3A_372] : memref<64x10240xbf16, #tpu.memory_space<vmem>>, vector<64x1024xbf16>
    %dot_general3A_374 = arith.constant dense<0.000000e+00> : vector<256x1024xf32>
    %dot_general3A_375 = tpu.matmul %convert_element_type3A, %get3A_373, %dot_general3A_374 {dimension_numbers = #tpu.dot_dimension_numbers<[1], [0], [0], [1], [0, 0, 1, 1], [], []>, transpose_lhs_hint = false} : vector<256x64xbf16>, vector<64x1024xbf16>, vector<256x1024xf32> -> vector<256x1024xf32>
    %reduce_max3A_376 = arith.constant dense<0xFF800000> : vector<256xf32>
    %reduce_max3A_377 = vector.multi_reduction <maximumf>, %dot_general3A_375, %reduce_max3A_376 [1] : vector<256x1024xf32> to vector<256xf32>
    %broadcast_in_dim3A_378 = vector.shape_cast %reduce_max3A_377 : vector<256xf32> to vector<256x1xf32>
    %eq3A_379 = vector.broadcast %broadcast_in_dim3A_378 : vector<256x1xf32> to vector<256x1024xf32>
    %eq3A_380 = arith.cmpf oeq, %dot_general3A_375, %eq3A_379 : vector<256x1024xf32>
    %add3A_381 = arith.constant 8192 : i32
    %add3A_382 = vector.broadcast %add3A_381 : i32 to vector<256x1024xi32>
    %add3A_383 = arith.addi %iota3A, %add3A_382 : vector<256x1024xi32>
    %jit3A_384 = arith.constant 1073741824 : i32
    %broadcast_in_dim3A_385 = vector.broadcast %jit3A_384 : i32 to vector<256x1024xi32>
    %select_n3A_386 = arith.select %eq3A_380, %add3A_383, %broadcast_in_dim3A_385 : vector<256x1024xi1>, vector<256x1024xi32>
    %reduce_min3A_387 = arith.constant dense<2147483647> : vector<256xi32>
    %reduce_min3A_388 = vector.multi_reduction <minsi>, %select_n3A_386, %reduce_min3A_387 [1] : vector<256x1024xi32> to vector<256xi32>
    %broadcast_in_dim3A_389 = vector.shape_cast %reduce_min3A_388 : vector<256xi32> to vector<256x1xi32>
    %gt3A_390 = arith.cmpf ogt, %broadcast_in_dim3A_378, %select_n3A_347 : vector<256x1xf32>
    %select_n3A_391 = arith.select %gt3A_390, %broadcast_in_dim3A_378, %select_n3A_347 : vector<256x1xi1>, vector<256x1xf32>
    %select_n3A_392 = arith.select %gt3A_390, %broadcast_in_dim3A_389, %select_n3A_348 : vector<256x1xi1>, vector<256x1xi32>
    %get3A_393 = arith.constant 0 : index
    %get3A_394 = arith.constant 9216 : index
    %get3A_395 = vector.load %arg2[%get3A_393, %get3A_394] : memref<64x10240xbf16, #tpu.memory_space<vmem>>, vector<64x1024xbf16>
    %dot_general3A_396 = arith.constant dense<0.000000e+00> : vector<256x1024xf32>
    %dot_general3A_397 = tpu.matmul %convert_element_type3A, %get3A_395, %dot_general3A_396 {dimension_numbers = #tpu.dot_dimension_numbers<[1], [0], [0], [1], [0, 0, 1, 1], [], []>, transpose_lhs_hint = false} : vector<256x64xbf16>, vector<64x1024xbf16>, vector<256x1024xf32> -> vector<256x1024xf32>
    %add3A_398 = arith.constant 9216 : i32
    %add3A_399 = vector.broadcast %add3A_398 : i32 to vector<256x1024xi32>
    %add3A_400 = arith.addi %iota3A, %add3A_399 : vector<256x1024xi32>
    %lt3A = arith.constant 10000 : i32
    %lt3A_401 = vector.broadcast %lt3A : i32 to vector<256x1024xi32>
    %lt3A_402 = arith.cmpi slt, %add3A_400, %lt3A_401 : vector<256x1024xi32>
    %jit3A_403 = arith.constant 0xFF800000 : f32
    %broadcast_in_dim3A_404 = vector.broadcast %jit3A_403 : f32 to vector<256x1024xf32>
    %select_n3A_405 = arith.select %lt3A_402, %dot_general3A_397, %broadcast_in_dim3A_404 : vector<256x1024xi1>, vector<256x1024xf32>
    %reduce_max3A_406 = arith.constant dense<0xFF800000> : vector<256xf32>
    %reduce_max3A_407 = vector.multi_reduction <maximumf>, %select_n3A_405, %reduce_max3A_406 [1] : vector<256x1024xf32> to vector<256xf32>
    %broadcast_in_dim3A_408 = vector.shape_cast %reduce_max3A_407 : vector<256xf32> to vector<256x1xf32>
    %eq3A_409 = vector.broadcast %broadcast_in_dim3A_408 : vector<256x1xf32> to vector<256x1024xf32>
    %eq3A_410 = arith.cmpf oeq, %select_n3A_405, %eq3A_409 : vector<256x1024xf32>
    %add3A_411 = arith.constant 9216 : i32
    %add3A_412 = vector.broadcast %add3A_411 : i32 to vector<256x1024xi32>
    %add3A_413 = arith.addi %iota3A, %add3A_412 : vector<256x1024xi32>
    %jit3A_414 = arith.constant 1073741824 : i32
    %broadcast_in_dim3A_415 = vector.broadcast %jit3A_414 : i32 to vector<256x1024xi32>
    %select_n3A_416 = arith.select %eq3A_410, %add3A_413, %broadcast_in_dim3A_415 : vector<256x1024xi1>, vector<256x1024xi32>
    %reduce_min3A_417 = arith.constant dense<2147483647> : vector<256xi32>
    %reduce_min3A_418 = vector.multi_reduction <minsi>, %select_n3A_416, %reduce_min3A_417 [1] : vector<256x1024xi32> to vector<256xi32>
    %broadcast_in_dim3A_419 = vector.shape_cast %reduce_min3A_418 : vector<256xi32> to vector<256x1xi32>
    %gt3A_420 = arith.cmpf ogt, %broadcast_in_dim3A_408, %select_n3A_369 : vector<256x1xf32>
    %select_n3A_421 = arith.select %gt3A_420, %broadcast_in_dim3A_419, %select_n3A_370 : vector<256x1xi1>, vector<256x1xi32>
    %get3A_422 = arith.constant 0 : index
    %get3A_423 = arith.constant 9216 : index
    %get3A_424 = vector.load %arg3[%get3A_422, %get3A_423] : memref<64x10240xbf16, #tpu.memory_space<vmem>>, vector<64x1024xbf16>
    %dot_general3A_425 = arith.constant dense<0.000000e+00> : vector<256x1024xf32>
    %dot_general3A_426 = tpu.matmul %convert_element_type3A, %get3A_424, %dot_general3A_425 {dimension_numbers = #tpu.dot_dimension_numbers<[1], [0], [0], [1], [0, 0, 1, 1], [], []>, transpose_lhs_hint = false} : vector<256x64xbf16>, vector<64x1024xbf16>, vector<256x1024xf32> -> vector<256x1024xf32>
    %add3A_427 = arith.constant 9216 : i32
    %add3A_428 = vector.broadcast %add3A_427 : i32 to vector<256x1024xi32>
    %add3A_429 = arith.addi %iota3A, %add3A_428 : vector<256x1024xi32>
    %lt3A_430 = arith.constant 10000 : i32
    %lt3A_431 = vector.broadcast %lt3A_430 : i32 to vector<256x1024xi32>
    %lt3A_432 = arith.cmpi slt, %add3A_429, %lt3A_431 : vector<256x1024xi32>
    %jit3A_433 = arith.constant 0xFF800000 : f32
    %broadcast_in_dim3A_434 = vector.broadcast %jit3A_433 : f32 to vector<256x1024xf32>
    %select_n3A_435 = arith.select %lt3A_432, %dot_general3A_426, %broadcast_in_dim3A_434 : vector<256x1024xi1>, vector<256x1024xf32>
    %reduce_max3A_436 = arith.constant dense<0xFF800000> : vector<256xf32>
    %reduce_max3A_437 = vector.multi_reduction <maximumf>, %select_n3A_435, %reduce_max3A_436 [1] : vector<256x1024xf32> to vector<256xf32>
    %broadcast_in_dim3A_438 = vector.shape_cast %reduce_max3A_437 : vector<256xf32> to vector<256x1xf32>
    %eq3A_439 = vector.broadcast %broadcast_in_dim3A_438 : vector<256x1xf32> to vector<256x1024xf32>
    %eq3A_440 = arith.cmpf oeq, %select_n3A_435, %eq3A_439 : vector<256x1024xf32>
    %add3A_441 = arith.constant 9216 : i32
    %add3A_442 = vector.broadcast %add3A_441 : i32 to vector<256x1024xi32>
    %add3A_443 = arith.addi %iota3A, %add3A_442 : vector<256x1024xi32>
    %jit3A_444 = arith.constant 1073741824 : i32
    %broadcast_in_dim3A_445 = vector.broadcast %jit3A_444 : i32 to vector<256x1024xi32>
    %select_n3A_446 = arith.select %eq3A_440, %add3A_443, %broadcast_in_dim3A_445 : vector<256x1024xi1>, vector<256x1024xi32>
    %reduce_min3A_447 = arith.constant dense<2147483647> : vector<256xi32>
    %reduce_min3A_448 = vector.multi_reduction <minsi>, %select_n3A_446, %reduce_min3A_447 [1] : vector<256x1024xi32> to vector<256xi32>
    %broadcast_in_dim3A_449 = vector.shape_cast %reduce_min3A_448 : vector<256xi32> to vector<256x1xi32>
    %gt3A_450 = arith.cmpf ogt, %broadcast_in_dim3A_438, %select_n3A_391 : vector<256x1xf32>
    %select_n3A_451 = arith.select %gt3A_450, %broadcast_in_dim3A_449, %select_n3A_392 : vector<256x1xi1>, vector<256x1xi32>
    %squeeze3A = vector.shape_cast %select_n3A_421 : vector<256x1xi32> to vector<256xi32>
    %swap3A = arith.constant 0 : index
    %swap3A_452 = arith.constant 0 : index
    %swap3A_453 = arith.constant 0 : index
    %swap3A_454 = vector.load %arg4[%swap3A, %swap3A_452, %swap3A_453] : memref<1x1x256xi32, #tpu.memory_space<vmem>>, vector<1x1x256xi32>
    %swap3A_455 = vector.shape_cast %swap3A_454 : vector<1x1x256xi32> to vector<256xi32>
    %swap3A_456 = vector.shape_cast %squeeze3A : vector<256xi32> to vector<1x1x256xi32>
    tpu.vector_store %arg4[%swap3A, %swap3A_452, %swap3A_453], %swap3A_456 {strides = array<i32>} : memref<1x1x256xi32, #tpu.memory_space<vmem>>, vector<1x1x256xi32>,
    %squeeze3A_457 = vector.shape_cast %select_n3A_451 : vector<256x1xi32> to vector<256xi32>
    %swap3A_458 = arith.constant 0 : index
    %swap3A_459 = arith.constant 0 : index
    %swap3A_460 = arith.constant 0 : index
    %swap3A_461 = vector.load %arg5[%swap3A_458, %swap3A_459, %swap3A_460] : memref<1x1x256xi32, #tpu.memory_space<vmem>>, vector<1x1x256xi32>
    %swap3A_462 = vector.shape_cast %swap3A_461 : vector<1x1x256xi32> to vector<256xi32>
    %swap3A_463 = vector.shape_cast %squeeze3A_457 : vector<256xi32> to vector<1x1x256xi32>
    tpu.vector_store %arg5[%swap3A_458, %swap3A_459, %swap3A_460], %swap3A_463 {strides = array<i32>} : memref<1x1x256xi32, #tpu.memory_space<vmem>>, vector<1x1x256xi32>,
    return
  }
  func.func @transform_0(%arg0: i32) -> (i32, i32) {
    %c0_i32 = arith.constant 0 : i32
    %c0_i32_0 = arith.constant 0 : i32
    return %arg0, %c0_i32 : i32, i32
  }
  func.func @transform_1(%arg0: i32) -> (i32, i32) {
    %c0_i32 = arith.constant 0 : i32
    %c0_i32_0 = arith.constant 0 : i32
    %c0_i32_1 = arith.constant 0 : i32
    return %c0_i32, %c0_i32_0 : i32, i32
  }
  func.func @transform_2(%arg0: i32) -> (i32, i32) {
    %c0_i32 = arith.constant 0 : i32
    %c0_i32_0 = arith.constant 0 : i32
    %c0_i32_1 = arith.constant 0 : i32
    return %c0_i32, %c0_i32_0 : i32, i32
  }
  func.func @transform_3(%arg0: i32) -> (i32, i32, i32) {
    %c0_i32 = arith.constant 0 : i32
    %c0_i32_0 = arith.constant 0 : i32
    %c0_i32_1 = arith.constant 0 : i32
    return %arg0, %c0_i32, %c0_i32_0 : i32, i32, i32
  }
  func.func @transform_4(%arg0: i32) -> (i32, i32, i32) {
    %c0_i32 = arith.constant 0 : i32
    %c0_i32_0 = arith.constant 0 : i32
    %c0_i32_1 = arith.constant 0 : i32
    return %arg0, %c0_i32, %c0_i32_0 : i32, i32, i32
  }
}

module attributes {stable_mosaic.version = 14 : i64} {
  func.func @_attn_body(%arg0: i32, %arg1: memref<256x64xf32, #tpu.memory_space<vmem>>, %arg2: memref<256x20x64xf32, #tpu.memory_space<vmem>>, %arg3: memref<5120x64xf32, #tpu.memory_space<vmem>>, %arg4: memref<5120x64xf32, #tpu.memory_space<vmem>>, %arg5: memref<64x64xf32, #tpu.memory_space<vmem>>, %arg6: memref<64x8xf32, #tpu.memory_space<vmem>>, %arg7: memref<64x8xf32, #tpu.memory_space<vmem>>, %arg8: memref<64x64xf32, #tpu.memory_space<vmem>>, %arg9: memref<256x64xf32, #tpu.memory_space<vmem>>) attributes {dimension_semantics = [#tpu.dimension_semantics<arbitrary>], iteration_bounds = array<i64: 4>, scalar_prefetch = 0 : i64, scratch_operands = 0 : i64, tpu.core_type = #tpu.core_type<tc>, window_params = [{transform_indices = @transform_0, window_bounds = array<i64: 256, 64>}, {transform_indices = @transform_1, window_bounds = array<i64: 256, 20, 64>}, {transform_indices = @transform_2, window_bounds = array<i64: 5120, 64>}, {transform_indices = @transform_3, window_bounds = array<i64: 5120, 64>}, {pipeline_mode = #tpu.pipeline_mode<synchronous>, transform_indices = @transform_4, window_bounds = array<i64: 64, 64>}, {pipeline_mode = #tpu.pipeline_mode<synchronous>, transform_indices = @transform_5, window_bounds = array<i64: 64, 8>}, {pipeline_mode = #tpu.pipeline_mode<synchronous>, transform_indices = @transform_6, window_bounds = array<i64: 64, 8>}, {pipeline_mode = #tpu.pipeline_mode<synchronous>, transform_indices = @transform_7, window_bounds = array<i64: 64, 64>}, {transform_indices = @transform_8, window_bounds = array<i64: 256, 64>}]} {
    %get3A = arith.constant 0 : index
    %get3A_0 = arith.constant 0 : index
    %get3A_1 = vector.load %arg1[%get3A, %get3A_0] : memref<256x64xf32, #tpu.memory_space<vmem>>, vector<256x64xf32>
    %get3A_2 = arith.constant 0 : index
    %get3A_3 = arith.constant 0 : index
    %get3A_4 = vector.load %arg5[%get3A_2, %get3A_3] : memref<64x64xf32, #tpu.memory_space<vmem>>, vector<64x64xf32>
    %dot_general3A = arith.constant dense<0.000000e+00> : vector<256x64xf32>
    %dot_general3A_5 = tpu.matmul %get3A_1, %get3A_4, %dot_general3A {dimension_numbers = #tpu.dot_dimension_numbers<[1], [0], [0], [1], [0, 0, 1, 1], [], []>, transpose_lhs_hint = false} : vector<256x64xf32>, vector<64x64xf32>, vector<256x64xf32> -> vector<256x64xf32>
    %logistic3A = arith.negf %dot_general3A_5 : vector<256x64xf32>
    %logistic3A_6 = math.exp %logistic3A : vector<256x64xf32>
    %logistic3A_7 = arith.constant 1.000000e+00 : f32
    %logistic3A_8 = vector.broadcast %logistic3A_7 : f32 to vector<256x64xf32>
    %logistic3A_9 = arith.addf %logistic3A_8, %logistic3A_6 : vector<256x64xf32>
    %logistic3A_10 = arith.divf %logistic3A_8, %logistic3A_9 : vector<256x64xf32>
    %mul3A = arith.mulf %dot_general3A_5, %logistic3A_10 : vector<256x64xf32>
    %get3A_11 = arith.constant 0 : index
    %get3A_12 = arith.constant 0 : index
    %get3A_13 = arith.constant 0 : index
    %get3A_14 = vector.load %arg2[%get3A_11, %get3A_12, %get3A_13] : memref<256x20x64xf32, #tpu.memory_space<vmem>>, vector<256x20x64xf32>
    %reshape3A = vector.shape_cast %get3A_14 : vector<256x20x64xf32> to vector<5120x64xf32>
    %get3A_15 = arith.constant 0 : index
    %get3A_16 = arith.constant 0 : index
    %get3A_17 = vector.load %arg6[%get3A_15, %get3A_16] : memref<64x8xf32, #tpu.memory_space<vmem>>, vector<64x8xf32>
    %dot_general3A_18 = arith.constant dense<0.000000e+00> : vector<5120x8xf32>
    %dot_general3A_19 = tpu.matmul %reshape3A, %get3A_17, %dot_general3A_18 {dimension_numbers = #tpu.dot_dimension_numbers<[1], [0], [0], [1], [0, 0, 1, 1], [], []>, transpose_lhs_hint = false} : vector<5120x64xf32>, vector<64x8xf32>, vector<5120x8xf32> -> vector<5120x8xf32>
    %logistic3A_20 = arith.negf %dot_general3A_19 : vector<5120x8xf32>
    %logistic3A_21 = math.exp %logistic3A_20 : vector<5120x8xf32>
    %logistic3A_22 = arith.constant 1.000000e+00 : f32
    %logistic3A_23 = vector.broadcast %logistic3A_22 : f32 to vector<5120x8xf32>
    %logistic3A_24 = arith.addf %logistic3A_23, %logistic3A_21 : vector<5120x8xf32>
    %logistic3A_25 = arith.divf %logistic3A_23, %logistic3A_24 : vector<5120x8xf32>
    %mul3A_26 = arith.mulf %dot_general3A_19, %logistic3A_25 : vector<5120x8xf32>
    %logistic3A_27 = arith.negf %mul3A_26 : vector<5120x8xf32>
    %logistic3A_28 = math.exp %logistic3A_27 : vector<5120x8xf32>
    %logistic3A_29 = arith.constant 1.000000e+00 : f32
    %logistic3A_30 = vector.broadcast %logistic3A_29 : f32 to vector<5120x8xf32>
    %logistic3A_31 = arith.addf %logistic3A_30, %logistic3A_28 : vector<5120x8xf32>
    %logistic3A_32 = arith.divf %logistic3A_30, %logistic3A_31 : vector<5120x8xf32>
    %mul3A_33 = arith.mulf %mul3A_26, %logistic3A_32 : vector<5120x8xf32>
    %get3A_34 = arith.constant 0 : index
    %get3A_35 = arith.constant 0 : index
    %get3A_36 = vector.load %arg7[%get3A_34, %get3A_35] : memref<64x8xf32, #tpu.memory_space<vmem>>, vector<64x8xf32>
    %dot_general3A_37 = arith.constant dense<0.000000e+00> : vector<5120x8xf32>
    %dot_general3A_38 = tpu.matmul %reshape3A, %get3A_36, %dot_general3A_37 {dimension_numbers = #tpu.dot_dimension_numbers<[1], [0], [0], [1], [0, 0, 1, 1], [], []>, transpose_lhs_hint = false} : vector<5120x64xf32>, vector<64x8xf32>, vector<5120x8xf32> -> vector<5120x8xf32>
    %logistic3A_39 = arith.negf %dot_general3A_38 : vector<5120x8xf32>
    %logistic3A_40 = math.exp %logistic3A_39 : vector<5120x8xf32>
    %logistic3A_41 = arith.constant 1.000000e+00 : f32
    %logistic3A_42 = vector.broadcast %logistic3A_41 : f32 to vector<5120x8xf32>
    %logistic3A_43 = arith.addf %logistic3A_42, %logistic3A_40 : vector<5120x8xf32>
    %logistic3A_44 = arith.divf %logistic3A_42, %logistic3A_43 : vector<5120x8xf32>
    %mul3A_45 = arith.mulf %dot_general3A_38, %logistic3A_44 : vector<5120x8xf32>
    %logistic3A_46 = arith.negf %mul3A_45 : vector<5120x8xf32>
    %logistic3A_47 = math.exp %logistic3A_46 : vector<5120x8xf32>
    %logistic3A_48 = arith.constant 1.000000e+00 : f32
    %logistic3A_49 = vector.broadcast %logistic3A_48 : f32 to vector<5120x8xf32>
    %logistic3A_50 = arith.addf %logistic3A_49, %logistic3A_47 : vector<5120x8xf32>
    %logistic3A_51 = arith.divf %logistic3A_49, %logistic3A_50 : vector<5120x8xf32>
    %mul3A_52 = arith.mulf %mul3A_45, %logistic3A_51 : vector<5120x8xf32>
    %get3A_53 = arith.constant 0 : index
    %get3A_54 = arith.constant 0 : index
    %get3A_55 = vector.load %arg3[%get3A_53, %get3A_54] : memref<5120x64xf32, #tpu.memory_space<vmem>>, vector<5120x64xf32>
    %slice3A = vector.extract_strided_slice %get3A_55 {offsets = [0, 0], sizes = [5120, 56], strides = [1, 1]} : vector<5120x64xf32> to vector<5120x56xf32>
    %logistic3A_56 = arith.negf %slice3A : vector<5120x56xf32>
    %logistic3A_57 = math.exp %logistic3A_56 : vector<5120x56xf32>
    %logistic3A_58 = arith.constant 1.000000e+00 : f32
    %logistic3A_59 = vector.broadcast %logistic3A_58 : f32 to vector<5120x56xf32>
    %logistic3A_60 = arith.addf %logistic3A_59, %logistic3A_57 : vector<5120x56xf32>
    %logistic3A_61 = arith.divf %logistic3A_59, %logistic3A_60 : vector<5120x56xf32>
    %mul3A_62 = arith.mulf %slice3A, %logistic3A_61 : vector<5120x56xf32>
    %concatenate3A = tpu.concatenate %mul3A_62, %mul3A_33 in 1 : vector<5120x56xf32>, vector<5120x8xf32> -> vector<5120x64xf32>
    %get3A_63 = arith.constant 0 : index
    %get3A_64 = arith.constant 0 : index
    %get3A_65 = vector.load %arg4[%get3A_63, %get3A_64] : memref<5120x64xf32, #tpu.memory_space<vmem>>, vector<5120x64xf32>
    %slice3A_66 = vector.extract_strided_slice %get3A_65 {offsets = [0, 0], sizes = [5120, 56], strides = [1, 1]} : vector<5120x64xf32> to vector<5120x56xf32>
    %logistic3A_67 = arith.negf %slice3A_66 : vector<5120x56xf32>
    %logistic3A_68 = math.exp %logistic3A_67 : vector<5120x56xf32>
    %logistic3A_69 = arith.constant 1.000000e+00 : f32
    %logistic3A_70 = vector.broadcast %logistic3A_69 : f32 to vector<5120x56xf32>
    %logistic3A_71 = arith.addf %logistic3A_70, %logistic3A_68 : vector<5120x56xf32>
    %logistic3A_72 = arith.divf %logistic3A_70, %logistic3A_71 : vector<5120x56xf32>
    %mul3A_73 = arith.mulf %slice3A_66, %logistic3A_72 : vector<5120x56xf32>
    %concatenate3A_74 = tpu.concatenate %mul3A_73, %mul3A_52 in 1 : vector<5120x56xf32>, vector<5120x8xf32> -> vector<5120x64xf32>
    %reshape3A_75 = vector.shape_cast %concatenate3A : vector<5120x64xf32> to vector<256x20x64xf32>
    %reshape3A_76 = vector.shape_cast %concatenate3A_74 : vector<5120x64xf32> to vector<256x20x64xf32>
    %slice3A_77 = vector.extract_strided_slice %mul3A {offsets = [0, 0], sizes = [256, 16], strides = [1, 1]} : vector<256x64xf32> to vector<256x16xf32>
    %slice3A_78 = vector.extract_strided_slice %reshape3A_75 {offsets = [0, 0, 0], sizes = [256, 20, 16], strides = [1, 1, 1]} : vector<256x20x64xf32> to vector<256x20x16xf32>
    %broadcast_in_dim3A = vector.shape_cast %slice3A_77 : vector<256x16xf32> to vector<256x1x16xf32>
    %mul3A_79 = vector.broadcast %broadcast_in_dim3A : vector<256x1x16xf32> to vector<256x20x16xf32>
    %mul3A_80 = arith.mulf %mul3A_79, %slice3A_78 : vector<256x20x16xf32>
    %reduce_sum3A = arith.constant dense<0.000000e+00> : vector<256x20xf32>
    %reduce_sum3A_81 = vector.multi_reduction <add>, %mul3A_80, %reduce_sum3A [2] : vector<256x20x16xf32> to vector<256x20xf32>
    %div3A = arith.constant 4.000000e+00 : f32
    %div3A_82 = vector.broadcast %div3A : f32 to vector<256x20xf32>
    %div3A_83 = arith.divf %reduce_sum3A_81, %div3A_82 : vector<256x20xf32>
    %reduce_max3A = arith.constant dense<0xFF800000> : vector<256xf32>
    %reduce_max3A_84 = vector.multi_reduction <maximumf>, %div3A_83, %reduce_max3A [1] : vector<256x20xf32> to vector<256xf32>
    %broadcast_in_dim3A_85 = vector.shape_cast %reduce_max3A_84 : vector<256xf32> to vector<256x1xf32>
    %sub3A = vector.broadcast %broadcast_in_dim3A_85 : vector<256x1xf32> to vector<256x20xf32>
    %sub3A_86 = arith.subf %div3A_83, %sub3A : vector<256x20xf32>
    %exp3A = math.exp %sub3A_86 : vector<256x20xf32>
    %reduce_sum3A_87 = arith.constant dense<0.000000e+00> : vector<256xf32>
    %reduce_sum3A_88 = vector.multi_reduction <add>, %exp3A, %reduce_sum3A_87 [1] : vector<256x20xf32> to vector<256xf32>
    %broadcast_in_dim3A_89 = vector.shape_cast %reduce_sum3A_88 : vector<256xf32> to vector<256x1xf32>
    %div3A_90 = vector.broadcast %broadcast_in_dim3A_89 : vector<256x1xf32> to vector<256x20xf32>
    %div3A_91 = arith.divf %exp3A, %div3A_90 : vector<256x20xf32>
    %slice3A_92 = vector.extract_strided_slice %reshape3A_76 {offsets = [0, 0, 0], sizes = [256, 20, 16], strides = [1, 1, 1]} : vector<256x20x64xf32> to vector<256x20x16xf32>
    %broadcast_in_dim3A_93 = vector.shape_cast %div3A_91 : vector<256x20xf32> to vector<256x20x1xf32>
    %mul3A_94 = vector.broadcast %broadcast_in_dim3A_93 : vector<256x20x1xf32> to vector<256x20x16xf32>
    %mul3A_95 = arith.mulf %mul3A_94, %slice3A_92 : vector<256x20x16xf32>
    %reduce_sum3A_96 = arith.constant dense<0.000000e+00> : vector<256x16xf32>
    %reduce_sum3A_97 = vector.multi_reduction <add>, %mul3A_95, %reduce_sum3A_96 [1] : vector<256x20x16xf32> to vector<256x16xf32>
    %slice3A_98 = vector.extract_strided_slice %mul3A {offsets = [0, 16], sizes = [256, 16], strides = [1, 1]} : vector<256x64xf32> to vector<256x16xf32>
    %slice3A_99 = vector.extract_strided_slice %reshape3A_75 {offsets = [0, 0, 16], sizes = [256, 20, 16], strides = [1, 1, 1]} : vector<256x20x64xf32> to vector<256x20x16xf32>
    %broadcast_in_dim3A_100 = vector.shape_cast %slice3A_98 : vector<256x16xf32> to vector<256x1x16xf32>
    %mul3A_101 = vector.broadcast %broadcast_in_dim3A_100 : vector<256x1x16xf32> to vector<256x20x16xf32>
    %mul3A_102 = arith.mulf %mul3A_101, %slice3A_99 : vector<256x20x16xf32>
    %reduce_sum3A_103 = arith.constant dense<0.000000e+00> : vector<256x20xf32>
    %reduce_sum3A_104 = vector.multi_reduction <add>, %mul3A_102, %reduce_sum3A_103 [2] : vector<256x20x16xf32> to vector<256x20xf32>
    %div3A_105 = arith.constant 4.000000e+00 : f32
    %div3A_106 = vector.broadcast %div3A_105 : f32 to vector<256x20xf32>
    %div3A_107 = arith.divf %reduce_sum3A_104, %div3A_106 : vector<256x20xf32>
    %reduce_max3A_108 = arith.constant dense<0xFF800000> : vector<256xf32>
    %reduce_max3A_109 = vector.multi_reduction <maximumf>, %div3A_107, %reduce_max3A_108 [1] : vector<256x20xf32> to vector<256xf32>
    %broadcast_in_dim3A_110 = vector.shape_cast %reduce_max3A_109 : vector<256xf32> to vector<256x1xf32>
    %sub3A_111 = vector.broadcast %broadcast_in_dim3A_110 : vector<256x1xf32> to vector<256x20xf32>
    %sub3A_112 = arith.subf %div3A_107, %sub3A_111 : vector<256x20xf32>
    %exp3A_113 = math.exp %sub3A_112 : vector<256x20xf32>
    %reduce_sum3A_114 = arith.constant dense<0.000000e+00> : vector<256xf32>
    %reduce_sum3A_115 = vector.multi_reduction <add>, %exp3A_113, %reduce_sum3A_114 [1] : vector<256x20xf32> to vector<256xf32>
    %broadcast_in_dim3A_116 = vector.shape_cast %reduce_sum3A_115 : vector<256xf32> to vector<256x1xf32>
    %div3A_117 = vector.broadcast %broadcast_in_dim3A_116 : vector<256x1xf32> to vector<256x20xf32>
    %div3A_118 = arith.divf %exp3A_113, %div3A_117 : vector<256x20xf32>
    %slice3A_119 = vector.extract_strided_slice %reshape3A_76 {offsets = [0, 0, 16], sizes = [256, 20, 16], strides = [1, 1, 1]} : vector<256x20x64xf32> to vector<256x20x16xf32>
    %broadcast_in_dim3A_120 = vector.shape_cast %div3A_118 : vector<256x20xf32> to vector<256x20x1xf32>
    %mul3A_121 = vector.broadcast %broadcast_in_dim3A_120 : vector<256x20x1xf32> to vector<256x20x16xf32>
    %mul3A_122 = arith.mulf %mul3A_121, %slice3A_119 : vector<256x20x16xf32>
    %reduce_sum3A_123 = arith.constant dense<0.000000e+00> : vector<256x16xf32>
    %reduce_sum3A_124 = vector.multi_reduction <add>, %mul3A_122, %reduce_sum3A_123 [1] : vector<256x20x16xf32> to vector<256x16xf32>
    %slice3A_125 = vector.extract_strided_slice %mul3A {offsets = [0, 32], sizes = [256, 16], strides = [1, 1]} : vector<256x64xf32> to vector<256x16xf32>
    %slice3A_126 = vector.extract_strided_slice %reshape3A_75 {offsets = [0, 0, 32], sizes = [256, 20, 16], strides = [1, 1, 1]} : vector<256x20x64xf32> to vector<256x20x16xf32>
    %broadcast_in_dim3A_127 = vector.shape_cast %slice3A_125 : vector<256x16xf32> to vector<256x1x16xf32>
    %mul3A_128 = vector.broadcast %broadcast_in_dim3A_127 : vector<256x1x16xf32> to vector<256x20x16xf32>
    %mul3A_129 = arith.mulf %mul3A_128, %slice3A_126 : vector<256x20x16xf32>
    %reduce_sum3A_130 = arith.constant dense<0.000000e+00> : vector<256x20xf32>
    %reduce_sum3A_131 = vector.multi_reduction <add>, %mul3A_129, %reduce_sum3A_130 [2] : vector<256x20x16xf32> to vector<256x20xf32>
    %div3A_132 = arith.constant 4.000000e+00 : f32
    %div3A_133 = vector.broadcast %div3A_132 : f32 to vector<256x20xf32>
    %div3A_134 = arith.divf %reduce_sum3A_131, %div3A_133 : vector<256x20xf32>
    %reduce_max3A_135 = arith.constant dense<0xFF800000> : vector<256xf32>
    %reduce_max3A_136 = vector.multi_reduction <maximumf>, %div3A_134, %reduce_max3A_135 [1] : vector<256x20xf32> to vector<256xf32>
    %broadcast_in_dim3A_137 = vector.shape_cast %reduce_max3A_136 : vector<256xf32> to vector<256x1xf32>
    %sub3A_138 = vector.broadcast %broadcast_in_dim3A_137 : vector<256x1xf32> to vector<256x20xf32>
    %sub3A_139 = arith.subf %div3A_134, %sub3A_138 : vector<256x20xf32>
    %exp3A_140 = math.exp %sub3A_139 : vector<256x20xf32>
    %reduce_sum3A_141 = arith.constant dense<0.000000e+00> : vector<256xf32>
    %reduce_sum3A_142 = vector.multi_reduction <add>, %exp3A_140, %reduce_sum3A_141 [1] : vector<256x20xf32> to vector<256xf32>
    %broadcast_in_dim3A_143 = vector.shape_cast %reduce_sum3A_142 : vector<256xf32> to vector<256x1xf32>
    %div3A_144 = vector.broadcast %broadcast_in_dim3A_143 : vector<256x1xf32> to vector<256x20xf32>
    %div3A_145 = arith.divf %exp3A_140, %div3A_144 : vector<256x20xf32>
    %slice3A_146 = vector.extract_strided_slice %reshape3A_76 {offsets = [0, 0, 32], sizes = [256, 20, 16], strides = [1, 1, 1]} : vector<256x20x64xf32> to vector<256x20x16xf32>
    %broadcast_in_dim3A_147 = vector.shape_cast %div3A_145 : vector<256x20xf32> to vector<256x20x1xf32>
    %mul3A_148 = vector.broadcast %broadcast_in_dim3A_147 : vector<256x20x1xf32> to vector<256x20x16xf32>
    %mul3A_149 = arith.mulf %mul3A_148, %slice3A_146 : vector<256x20x16xf32>
    %reduce_sum3A_150 = arith.constant dense<0.000000e+00> : vector<256x16xf32>
    %reduce_sum3A_151 = vector.multi_reduction <add>, %mul3A_149, %reduce_sum3A_150 [1] : vector<256x20x16xf32> to vector<256x16xf32>
    %slice3A_152 = vector.extract_strided_slice %mul3A {offsets = [0, 48], sizes = [256, 16], strides = [1, 1]} : vector<256x64xf32> to vector<256x16xf32>
    %slice3A_153 = vector.extract_strided_slice %reshape3A_75 {offsets = [0, 0, 48], sizes = [256, 20, 16], strides = [1, 1, 1]} : vector<256x20x64xf32> to vector<256x20x16xf32>
    %broadcast_in_dim3A_154 = vector.shape_cast %slice3A_152 : vector<256x16xf32> to vector<256x1x16xf32>
    %mul3A_155 = vector.broadcast %broadcast_in_dim3A_154 : vector<256x1x16xf32> to vector<256x20x16xf32>
    %mul3A_156 = arith.mulf %mul3A_155, %slice3A_153 : vector<256x20x16xf32>
    %reduce_sum3A_157 = arith.constant dense<0.000000e+00> : vector<256x20xf32>
    %reduce_sum3A_158 = vector.multi_reduction <add>, %mul3A_156, %reduce_sum3A_157 [2] : vector<256x20x16xf32> to vector<256x20xf32>
    %div3A_159 = arith.constant 4.000000e+00 : f32
    %div3A_160 = vector.broadcast %div3A_159 : f32 to vector<256x20xf32>
    %div3A_161 = arith.divf %reduce_sum3A_158, %div3A_160 : vector<256x20xf32>
    %reduce_max3A_162 = arith.constant dense<0xFF800000> : vector<256xf32>
    %reduce_max3A_163 = vector.multi_reduction <maximumf>, %div3A_161, %reduce_max3A_162 [1] : vector<256x20xf32> to vector<256xf32>
    %broadcast_in_dim3A_164 = vector.shape_cast %reduce_max3A_163 : vector<256xf32> to vector<256x1xf32>
    %sub3A_165 = vector.broadcast %broadcast_in_dim3A_164 : vector<256x1xf32> to vector<256x20xf32>
    %sub3A_166 = arith.subf %div3A_161, %sub3A_165 : vector<256x20xf32>
    %exp3A_167 = math.exp %sub3A_166 : vector<256x20xf32>
    %reduce_sum3A_168 = arith.constant dense<0.000000e+00> : vector<256xf32>
    %reduce_sum3A_169 = vector.multi_reduction <add>, %exp3A_167, %reduce_sum3A_168 [1] : vector<256x20xf32> to vector<256xf32>
    %broadcast_in_dim3A_170 = vector.shape_cast %reduce_sum3A_169 : vector<256xf32> to vector<256x1xf32>
    %div3A_171 = vector.broadcast %broadcast_in_dim3A_170 : vector<256x1xf32> to vector<256x20xf32>
    %div3A_172 = arith.divf %exp3A_167, %div3A_171 : vector<256x20xf32>
    %slice3A_173 = vector.extract_strided_slice %reshape3A_76 {offsets = [0, 0, 48], sizes = [256, 20, 16], strides = [1, 1, 1]} : vector<256x20x64xf32> to vector<256x20x16xf32>
    %broadcast_in_dim3A_174 = vector.shape_cast %div3A_172 : vector<256x20xf32> to vector<256x20x1xf32>
    %mul3A_175 = vector.broadcast %broadcast_in_dim3A_174 : vector<256x20x1xf32> to vector<256x20x16xf32>
    %mul3A_176 = arith.mulf %mul3A_175, %slice3A_173 : vector<256x20x16xf32>
    %reduce_sum3A_177 = arith.constant dense<0.000000e+00> : vector<256x16xf32>
    %reduce_sum3A_178 = vector.multi_reduction <add>, %mul3A_176, %reduce_sum3A_177 [1] : vector<256x20x16xf32> to vector<256x16xf32>
    %concatenate3A_179 = tpu.concatenate %reduce_sum3A_97, %reduce_sum3A_124, %reduce_sum3A_151, %reduce_sum3A_178 in 1 : vector<256x16xf32>, vector<256x16xf32>, vector<256x16xf32>, vector<256x16xf32> -> vector<256x64xf32>
    %get3A_180 = arith.constant 0 : index
    %get3A_181 = arith.constant 0 : index
    %get3A_182 = vector.load %arg8[%get3A_180, %get3A_181] : memref<64x64xf32, #tpu.memory_space<vmem>>, vector<64x64xf32>
    %dot_general3A_183 = arith.constant dense<0.000000e+00> : vector<256x64xf32>
    %dot_general3A_184 = tpu.matmul %concatenate3A_179, %get3A_182, %dot_general3A_183 {dimension_numbers = #tpu.dot_dimension_numbers<[1], [0], [0], [1], [0, 0, 1, 1], [], []>, transpose_lhs_hint = false} : vector<256x64xf32>, vector<64x64xf32>, vector<256x64xf32> -> vector<256x64xf32>
    %swap3A = arith.constant 0 : index
    %swap3A_185 = arith.constant 0 : index
    %swap3A_186 = vector.load %arg9[%swap3A, %swap3A_185] : memref<256x64xf32, #tpu.memory_space<vmem>>, vector<256x64xf32>
    tpu.vector_store %arg9[%swap3A, %swap3A_185], %dot_general3A_184 {strides = array<i32>} : memref<256x64xf32, #tpu.memory_space<vmem>>, vector<256x64xf32>,
    return
  }
  func.func @transform_0(%arg0: i32) -> (i32, i32) {
    %c0_i32 = arith.constant 0 : i32
    %c0_i32_0 = arith.constant 0 : i32
    return %arg0, %c0_i32 : i32, i32
  }
  func.func @transform_1(%arg0: i32) -> (i32, i32, i32) {
    %c0_i32 = arith.constant 0 : i32
    %c0_i32_0 = arith.constant 0 : i32
    %c0_i32_1 = arith.constant 0 : i32
    return %arg0, %c0_i32, %c0_i32_0 : i32, i32, i32
  }
  func.func @transform_2(%arg0: i32) -> (i32, i32) {
    %c0_i32 = arith.constant 0 : i32
    %c0_i32_0 = arith.constant 0 : i32
    return %arg0, %c0_i32 : i32, i32
  }
  func.func @transform_3(%arg0: i32) -> (i32, i32) {
    %c0_i32 = arith.constant 0 : i32
    %c0_i32_0 = arith.constant 0 : i32
    return %arg0, %c0_i32 : i32, i32
  }
  func.func @transform_4(%arg0: i32) -> (i32, i32) {
    %c0_i32 = arith.constant 0 : i32
    %c0_i32_0 = arith.constant 0 : i32
    %c0_i32_1 = arith.constant 0 : i32
    return %c0_i32, %c0_i32_0 : i32, i32
  }
  func.func @transform_5(%arg0: i32) -> (i32, i32) {
    %c0_i32 = arith.constant 0 : i32
    %c0_i32_0 = arith.constant 0 : i32
    %c0_i32_1 = arith.constant 0 : i32
    return %c0_i32, %c0_i32_0 : i32, i32
  }
  func.func @transform_6(%arg0: i32) -> (i32, i32) {
    %c0_i32 = arith.constant 0 : i32
    %c0_i32_0 = arith.constant 0 : i32
    %c0_i32_1 = arith.constant 0 : i32
    return %c0_i32, %c0_i32_0 : i32, i32
  }
  func.func @transform_7(%arg0: i32) -> (i32, i32) {
    %c0_i32 = arith.constant 0 : i32
    %c0_i32_0 = arith.constant 0 : i32
    %c0_i32_1 = arith.constant 0 : i32
    return %c0_i32, %c0_i32_0 : i32, i32
  }
  func.func @transform_8(%arg0: i32) -> (i32, i32) {
    %c0_i32 = arith.constant 0 : i32
    %c0_i32_0 = arith.constant 0 : i32
    return %arg0, %c0_i32 : i32, i32
  }
}

</mosaic_0001>

<sc_bundles>
// kernel: kernel.5.cloned.1.call-start
scs
__scs_entry_jumppad:
0x0: {  	(pc) =	sbr.rel $0x88, $3  }
0x1: {  	(tag) =	ssettag $0x0;
	lr =	simm.s32 $0x1  }
0x2: {  	[smem:$0x3F97] =	sst lr;
	_ =	strace $0xD0000000  }
0x3: {  	_ = 	snop  }
0x4: {  	_ = 	snop  }
0x5: {  	_ = 	snop  }
0x6: {  	_ = 	snop  }
0x7: {  	_ = 	snop  }
__scs_overlays_trampoline_lowered:
0x8: {  	[smem:$0x3FA6] =	sst s0  }
0x9: {  	[smem:$0x3FA7] =	sst s1  }
0xa: {  	[smem:$0x3FA8] =	sst s2  }
0xb: {  	[smem:$0x3FA9] =	sst s3  }
0xc: {  	[smem:$0x3FAA] =	sst s4  }
0xd: {  	[smem:$0x3FAB] =	sst s5  }
0xe: {  	[smem:$0x3FAC] =	sst s6  }
0xf: {  	[smem:$0x3FAD] =	sst s7  }
0x10: {  	[smem:$0x3FAE] =	sst s8  }
0x11: {  	[smem:$0x3FAF] =	sst s9;
	s0 =	simm.s32 @!p0 $0x0  }
0x12: {  	s1 =	sld [smem:$0x3F95];
	s0 =	simm.s32 @p0 $0x1  }
0x13: {  	[smem:$0x3FB0] =	sst s0;
	s0 =	simm.s32 @!p1 $0x0  }
0x14: {  	s2 =	sld [smem:$0x3F94];
	s0 =	simm.s32 @p1 $0x1  }
0x15: {  	[smem:$0x3FB1] =	sst s0;
	s0 =	simm.s32 @!p2 $0x0  }
0x16: {  	s3 =	sld [smem:$0x3FDB];
	s0 =	simm.s32 @p2 $0x1  }
0x17: {  	s4 =	simm.s32 $0x1BF5;
	[smem:$0x3FB3] =	sst s0  }
0x18: {  	s0 =	sld [smem:$0x3F96];
	_ =	swait.ge [sflag:s4], $0x0  }
0x19: {  	s7 =	sld [smem:$0x3F97]  }
0x1a: {  	s8 =	sadd.s32 $0xFFFFE003, lr  }
0x1b: {  	s9 =	sadd.s32 $0xFFFFFEF7, lr;
	s5 =	simm.s32 $0xFFFFFFFF;
	p2 =	slt.u32 s8, $0xFFFFF086  }
0x1c: {  	p1 =	slt.u32 s9, $0xF7A;
	s5 =	simm.s32 @!p2 $0x0  }
0x1d: {  	s5 =	simm.s32 @p1 $0x1;
	p0 =	seq.s32 s7, s2  }
0x1e: {  	s7 =	smul.u32 @!p0 $0xF7A, s2;
	p2 =	seq.s32 @!p0 s5, $0x0  }
0x1f: {  	s9 =	smul.u32 $0xF7A, s1;
	s8 =	simm.s32 @!p0 $0x1BF5;
	p2 =	por !p2, p0  }
0x20: {  	[sflag:s8] =	ssyncset.s32 @!p0 $0xFFFFF086;
	s6 =	sadd.s32 @!p0 s3, s7;
	s7 =	simm.s32 @!p0 $0x108  }
0x21: {  	s3 =	sadd.s32 s3, s9;
	s6 =	sadd.s32 @!p0 $0x88, s6;
	s7 =	simm.s32 @p2 $0x1082  }
0x22: {  	[simem:s7], [sflag:s8] =	dma.local @!p0 [hbm:s6], $0xF7A  }
0x23: {  	s9 =	sor.u32 $0xD0000000, s2;
	s6 =	simm.s32 $0x108;
	_ =	swait.ge @!p0 [sflag:s8], $0x0  }
0x24: {  	s3 =	sadd.s32 $0x88, s3;
	s6 =	simm.s32 @!p1 $0x1082;
	[sflag:s4] =	ssyncset.s32 $0xFFFFF086  }
0x25: {  	[simem:s6], [sflag:s4] =	dma.local [hbm:s3], $0xF7A  }
0x26: {  	[smem:$0x3F97] =	sst s1;
	(tag) =	ssettag s2;
	_ =	strace s9  }
0x27: {  	s1 =	sld [smem:$0x3FA7]  }
0x28: {  	s2 =	sld [smem:$0x3FA8]  }
0x29: {  	s4 =	sld [smem:$0x3FAA]  }
0x2a: {  	p0 =	seq.s32 s5, $0x0;
	s5 =	sld [smem:$0x3FAB]  }
0x2b: {  	s6 =	sld [smem:$0x3FAC]  }
0x2c: {  	s7 =	sld [smem:$0x3FAD]  }
0x2d: {  	s3 =	simm.s32 $0x108;
	s8 =	sld [smem:$0x3FAE]  }
0x2e: {  	s3 =	simm.s32 @!p0 $0x1082;
	s9 =	sld [smem:$0x3FAF]  }
0x2f: {  	lr =	sadd.s32 s0, s3;
	s0 =	sld [smem:$0x3FA6]  }
0x30: {  	s3 =	sld [smem:$0x3FA9]  }
0x31: {  	[smem:$0x3FB2] =	sst s10  }
0x32: {  	s10 =	sld [smem:$0x3FB0];
	_ =	sdelay $0x3  }
0x33: {  	p0 =	seq.s32 s10, $0x1;
	s10 =	sld [smem:$0x3FB2];
	_ =	sdelay $0x3  }
0x34: {  	[smem:$0x3FB2] =	sst s10  }
0x35: {  	s10 =	sld [smem:$0x3FB1];
	_ =	sdelay $0x3  }
0x36: {  	p1 =	seq.s32 s10, $0x1;
	s10 =	sld [smem:$0x3FB2];
	_ =	sdelay $0x3  }
0x37: {  	[smem:$0x3FB2] =	sst s10  }
0x38: {  	s10 =	sld [smem:$0x3FB3]  }
0x39: {  	_ = 	snop;
	(pc) =	sbr.ind lr, $3  }
0x3a: {  	_ = 	snop  }
0x3b: {  	_ = 	snop  }
0x3c: {  	p2 =	seq.s32 s10, $0x1;
	s10 =	sld [smem:$0x3FB2]  }
0x3d: {  	_ =	shalt  }
0x3e: {  	_ =	shalt  }
0x3f: {  	_ =	shalt  }
0x40: {  	_ =	shalt  }
0x41: {  	_ =	shalt  }
0x42: {  	_ =	shalt  }
0x43: {  	_ =	shalt  }
0x44: {  	_ =	shalt  }
0x45: {  	_ =	shalt  }
0x46: {  	_ =	shalt  }
0x47: {  	_ =	shalt  }
0x48: {  	_ =	shalt  }
0x49: {  	_ =	shalt  }
0x4a: {  	_ =	shalt  }
0x4b: {  	_ =	shalt  }
0x4c: {  	_ =	shalt  }
0x4d: {  	_ =	shalt  }
0x4e: {  	_ =	shalt  }
0x4f: {  	_ =	shalt  }
0x50: {  	_ =	shalt  }
0x51: {  	_ =	shalt  }
0x52: {  	_ =	shalt  }
0x53: {  	_ =	shalt  }
0x54: {  	_ =	shalt  }
0x55: {  	_ =	shalt  }
0x56: {  	_ =	shalt  }
0x57: {  	_ =	shalt  }
0x58: {  	_ =	shalt  }
0x59: {  	_ =	shalt  }
0x5a: {  	_ =	shalt  }
0x5b: {  	_ =	shalt  }
0x5c: {  	_ =	shalt  }
0x5d: {  	_ =	shalt  }
0x5e: {  	_ =	shalt  }
0x5f: {  	_ =	shalt  }
0x60: {  	_ =	shalt  }
0x61: {  	_ =	shalt  }
0x62: {  	_ =	shalt  }
0x63: {  	_ =	shalt  }
0x64: {  	_ =	shalt  }
0x65: {  	_ =	shalt  }
0x66: {  	_ =	shalt  }
0x67: {  	_ =	shalt  }
0x68: {  	_ =	shalt  }
0x69: {  	_ =	shalt  }
0x6a: {  	_ =	shalt  }
0x6b: {  	_ =	shalt  }
0x6c: {  	_ =	shalt  }
0x6d: {  	_ =	shalt  }
0x6e: {  	_ =	shalt  }
0x6f: {  	_ =	shalt  }
0x70: {  	_ =	shalt  }
0x71: {  	_ =	shalt  }
0x72: {  	_ =	shalt  }
0x73: {  	_ =	shalt  }
0x74: {  	_ =	shalt  }
0x75: {  	_ =	shalt  }
0x76: {  	_ =	shalt  }
0x77: {  	_ =	shalt  }
0x78: {  	_ =	shalt  }
0x79: {  	_ =	shalt  }
0x7a: {  	_ =	shalt  }
0x7b: {  	_ =	shalt  }
0x7c: {  	_ =	shalt  }
0x7d: {  	_ =	shalt  }
0x7e: {  	_ =	shalt  }
0x7f: {  	_ =	shalt  }
0x80: {  	_ =	shalt  }
0x81: {  	_ =	shalt  }
0x82: {  	_ =	shalt  }
0x83: {  	_ =	shalt  }
0x84: {  	_ =	shalt  }
0x85: {  	_ =	shalt  }
0x86: {  	_ =	shalt  }
0x87: {  	_ =	shalt  }
.Lfunc_end0:
.L_simem_size_0:
called_computation_lowered:
.L_overlay_start_0:
0x88: {  	s2 =	sld [smem:$0x3FD9]  }
0x89: {  	s3 =	sld [smem:$0x3FFE];
	_ =	sdelay $0x1  }
0x8a: {  	s1 =	srdreg.scid  }
0x8b: {  	s0 =	sand.u32 $0x1, s1  }
0x8c: {  	s17 =	sshll.u32 s0, $0xA;
	s2 =	sadd.s32 s3, s2  }
0x8d: {  	s2 =	sadd.s32 s2, s17  }
0x8e: {  	[smem:$0x3FBE] =	sst s2  }
0x8f: {  	_ = 	snop  }
0x90: {  	s2 =	sld [smem:$0x3FD0];
	(tm) =	ssettm $0x1  }
0x91: {  	s18 =	sld [smem:$0x3FFB];
	_ =	sdelay $0x3  }
0x92: {  	_ =	strace s18  }
0x93: {  	s3 =	sld [smem:$0x3FFC];
	_ =	sdelay $0x3  }
0x94: {  	_ =	strace s3  }
0x95: {  	s3 =	sld [smem:$0x3FFD];
	_ =	sdelay $0x3  }
0x96: {  	_ =	strace s3  }
0x97: {  	_ =	strace $0x8FFFFFFF  }
0x98: {  	s19 =	sld [smem:$0x3FDB];
	_ =	sdelay $0x1  }
0x99: {  	s4 =	simm.s32 $_scs_section_size  }
0x9a: {  	s5 =	simm.s32 $_size__tile_overlayer_lowered;
	s6 =	simm.s32 $_tile_overlayer_lowered  }
0x9b: {  	s22 =	simm.s32 $0x1BFF;
	s21 =	sshll.u32 s6, $0x1;
	s3 =	sadd.s32 s4, s19  }
0x9c: {  	s7 =	simm.s32 $0x0;
	s20 =	sshll.u32 s5, $0x1;
	s5 =	sadd.s32 s21, s3  }
0x9d: {  	[timem:s7], [sflag:s22] =	dma.local [hbm:s5], s20  }
0x9e: {  	_ =	swait.ge [sflag:s22], s20  }
0x9f: {  	s4 =	ssub.s32 $0x0, s20;
	[sflag:s22] =	ssyncset.done $0x0  }
0xa0: {  	[sflag:s22] =	ssyncadd.s32 s4;
	_ =	sdelay $0x1  }
0xa1: {  	s23 =	simm.s32 $0x1B8B  }
0xa2: {  	_ =	swait.ge [sflag:s23], $0x1  }
0xa3: {  	[sflag:s23] =	ssyncset.done $0x0  }
0xa4: {  	s25 =	simm.s32 $0x1B8E;
	s24 =	sld [smem:$0x3FFE];
	[sflag:s23] =	ssyncadd.s32 $0xFFFFFFFF  }
0xa5: {  	s26 =	simm.s32 $execute0_lowered;
	[smem:$0x3FD2] =	sst s25  }
0xa6: {  	s5 =	sshll.u32 s26, $0x1;
	_ =	strace $0x80000046;
	[dreg:$0x1] =	wrdreg $0xFFFFFFFF  }
0xa7: {  	s28 =	simm.s32 $_size_execute0_lowered;
	s3 =	sadd.s32 s3, s5;
	[dreg:$0x0] =	wrdreg $0x0  }
0xa8: {  	s5 =	sshll.u32 s28, $0x1;
	[dreg:$0x2] =	wrdreg s3  }
0xa9: {  	[dreg:$0x3] =	wrdreg s5  }
0xaa: {  	[dreg:$0x4] =	wrdreg $0xC0  }
0xab: {  	_ =	task [dreg:s7], $0x5FFFF  }
0xac: {  	[dreg:$0x1] =	wrdreg $0xFFFFFFFF  }
0xad: {  	[dreg:$0x0] =	wrdreg $0x60  }
0xae: {  	[dreg:$0x2] =	wrdreg s24  }
0xaf: {  	[dreg:$0x3] =	wrdreg s2  }
0xb0: {  	[dreg:$0x4] =	wrdreg $0x9  }
0xb1: {  	_ =	task.clear_ibuf [dreg:s7], $0x5FFFF;
	_ =	strace $0x90000046  }
0xb2: {  	s29 =	simm.s32 $0x9;
	_ =	strace $0x80000048  }
0xb3: {  	_ =	swait.ge [sflag:s29], $0x1  }
0xb4: {  	[sflag:s29] =	ssyncadd.s32 $0xFFFFFFFF  }
0xb5: {  	_ =	strace $0x90000048  }
0xb6: {  	_ =	sfence  }
0xb7: {  	s30 =	sld [smem:$0x0];
	_ =	sdelay $0x2  }
0xb8: {  	s31 =	sshll.u32 s1, $0xD;
	s1 =	sshrl.u32 s1, $0x2  }
0xb9: {  	s3 =	sand.u32 $0x4000, s31;
	s1 =	sadd.s32 s1, s30  }
0xba: {  	s0 =	sor.u32 s3, s0;
	s1 =	sshll.u32 s1, $0x11  }
0xbb: {  	s0 =	sor.u32 s1, s0  }
0xbc: {  	s0 =	sadd.s32 $0x8F2B, s0  }
0xbd: {  	[sflag:s0] =	ssyncadd.remote.s32 $0x1  }
0xbe: {  	_ =	sfence.sel $0xFFFF  }
0xbf: {  	[dreg:$0x0] =	wrdreg $0xFFFFFFFF;
	(pc) =	sbr.abs _section_cstart, $3  }
0xc0: {  	[dreg:$0x1] =	wrdreg $0xFFFFFFFF  }
0xc1: {  	_ =	task.clear_ibuf [dreg:s7], $0x2FFFF;
	_ =	strace $0x9FFFFFFF  }
0xc2: {  	(tm) =	ssettm $0x7FFFFFFF  }
0xc3: {  	_ =	shalt  }
tec
execute0_lowered:
.L_overlay_start_1:
0x0: {  	(tag) =	ssettag $0x1  }
0x1: {  	s1 =	srdreg.scid;
	s0 =	stileid.u32  }
0x2: {  	s18 =	rddreg [dreg:$0x0];
	s19 =	sand.u32 $0x1, s1;
	s30 =	sshll.u32 s0, $0x1  }
0x3: {  	s3 =	rddreg [dreg:$0x1];
	s16 =	sor.u32 s19, s30  }
0x4: {  	s2 =	simm.s32 $0x0;
	s1 =	rddreg [dreg:$0x2];
	s17 =	smul.u32 $0x50, s16  }
0x5: {  	[smem:$0x7FF] =	sst s2  }
0x6: {  	_ =	strace $0x80000047;
	s4 =	sadd.s32 s3, s17;
	s3 =	simm.s32 $0x2  }
0x7: {  	[tilespmem:s2], [sflag:$0x2] =	stream.linear.gather [hbm4b:s4+s2], $0x280, $0x38;
	[tilespmem:$0xA280] =	vst v63  }
0x8: {  	_ =	swait.ge [sflag:s3], $0x280  }
0x9: {  	s6 =	simm.s32 $0x80;
	[sflag:s3] =	ssyncset.done $0x0  }
0xa: {  	s7 =	simm.s32 $0x280;
	s5 =	sadd.s32 $0x75E00, s18;
	[sflag:s3] =	ssyncadd.s32 $0xFFFFFD80  }
0xb: {  	[tilespmem:s7], [sflag:$0x1] =	stream.indirect.gather [hbm4b:s5+s6], $0x40, s2, s6, $0xb8;
	[tilespmem:$0xA280] =	vst v63  }
0xc: {  	s8 =	simm.s32 $0x2280  }
0xd: {  	[tilespmem:s8], [sflag:$0x1] =	stream.indirect.gather [hbm4b:s5+s6], $0x40, s6, s6, $0xb8;
	[tilespmem:$0xA280] =	vst v63  }
0xe: {  	s9 =	simm.s32 $0x100;
	s10 =	simm.s32 $0x4280  }
0xf: {  	[tilespmem:s10], [sflag:$0x1] =	stream.indirect.gather [hbm4b:s5+s6], $0x40, s9, s6, $0xb8;
	[tilespmem:$0xA280] =	vst v63  }
0x10: {  	s11 =	simm.s32 $0x180;
	s12 =	simm.s32 $0x6280  }
0x11: {  	[tilespmem:s12], [sflag:$0x1] =	stream.indirect.gather [hbm4b:s5+s6], $0x40, s11, s6, $0xb8;
	[tilespmem:$0xA280] =	vst v63  }
0x12: {  	s13 =	simm.s32 $0x200;
	s14 =	simm.s32 $0x8280;
	s15 =	simm.s32 $0x1  }
0x13: {  	[tilespmem:s14], [sflag:$0x1] =	stream.indirect.gather [hbm4b:s5+s6], $0x40, s13, s6, $0xb8;
	[tilespmem:$0xA280] =	vst v63  }
0x14: {  	_ =	swait.ge [sflag:s15], $0x2000  }
0x15: {  	[sflag:s15] =	ssyncset.done $0x0  }
0x16: {  	[sflag:s15] =	ssyncadd.s32 $0xFFFFE000  }
0x17: {  	_ =	swait.ge [sflag:s15], $0x2000  }
0x18: {  	[sflag:s15] =	ssyncset.done $0x0  }
0x19: {  	[sflag:s15] =	ssyncadd.s32 $0xFFFFE000  }
0x1a: {  	_ =	swait.ge [sflag:s15], $0x2000  }
0x1b: {  	[sflag:s15] =	ssyncset.done $0x0  }
0x1c: {  	[sflag:s15] =	ssyncadd.s32 $0xFFFFE000  }
0x1d: {  	_ =	swait.ge [sflag:s15], $0x2000  }
0x1e: {  	[sflag:s15] =	ssyncset.done $0x0  }
0x1f: {  	s16 =	smul.u32 $0x1400, s16;
	[sflag:s15] =	ssyncadd.s32 $0xFFFFE000  }
0x20: {  	_ =	swait.ge [sflag:s15], $0x2000  }
0x21: {  	s20 =	sadd.s32 s16, s18;
	[sflag:s15] =	ssyncset.done $0x0  }
0x22: {  	s16 =	sadd.s32 $0xB2200, s20;
	[sflag:s15] =	ssyncadd.s32 $0xFFFFE000  }
0x23: {  	[hbm4b:s16+s2] =	stream.linear.scatter [tilespmem:s7], [sflag:$0x2], $0xA000, $0x38;
	[tilespmem:$0xA280] =	vst v63  }
0x24: {  	_ =	swait.ge [sflag:s3], $0xA000  }
0x25: {  	s17 =	sadd.s32 s17, s18;
	[sflag:s3] =	ssyncset.done $0x0  }
0x26: {  	s17 =	sadd.s32 $0x89800, s17;
	[sflag:s3] =	ssyncadd.s32 $0xFFFF6000  }
0x27: {  	[tilespmem:s2], [sflag:$0x2] =	stream.linear.gather [hbm4b:s17+s2], $0x280, $0x38;
	[tilespmem:$0xA280] =	vst v63  }
0x28: {  	_ =	swait.ge [sflag:s3], $0x280  }
0x29: {  	[sflag:s3] =	ssyncset.done $0x0  }
0x2a: {  	s18 =	sadd.s32 $0x62400, s18;
	[sflag:s3] =	ssyncadd.s32 $0xFFFFFD80  }
0x2b: {  	[tilespmem:s7], [sflag:$0x1] =	stream.indirect.gather [hbm4b:s18+s6], $0x40, s2, s6, $0xb8;
	[tilespmem:$0xA280] =	vst v63  }
0x2c: {  	_ = 	snop  }
0x2d: {  	[tilespmem:s8], [sflag:$0x1] =	stream.indirect.gather [hbm4b:s18+s6], $0x40, s6, s6, $0xb8;
	[tilespmem:$0xA280] =	vst v63  }
0x2e: {  	_ = 	snop  }
0x2f: {  	[tilespmem:s10], [sflag:$0x1] =	stream.indirect.gather [hbm4b:s18+s6], $0x40, s9, s6, $0xb8;
	[tilespmem:$0xA280] =	vst v63  }
0x30: {  	_ = 	snop  }
0x31: {  	[tilespmem:s12], [sflag:$0x1] =	stream.indirect.gather [hbm4b:s18+s6], $0x40, s11, s6, $0xb8;
	[tilespmem:$0xA280] =	vst v63  }
0x32: {  	_ = 	snop  }
0x33: {  	[tilespmem:s14], [sflag:$0x1] =	stream.indirect.gather [hbm4b:s18+s6], $0x40, s13, s6, $0xb8;
	[tilespmem:$0xA280] =	vst v63  }
0x34: {  	_ =	swait.ge [sflag:s15], $0x2000  }
0x35: {  	[sflag:s15] =	ssyncset.done $0x0  }
0x36: {  	[sflag:s15] =	ssyncadd.s32 $0xFFFFE000  }
0x37: {  	_ =	swait.ge [sflag:s15], $0x2000  }
0x38: {  	[sflag:s15] =	ssyncset.done $0x0  }
0x39: {  	[sflag:s15] =	ssyncadd.s32 $0xFFFFE000  }
0x3a: {  	_ =	swait.ge [sflag:s15], $0x2000  }
0x3b: {  	[sflag:s15] =	ssyncset.done $0x0  }
0x3c: {  	s19 =	ssub.s32 $0x2, s19;
	[sflag:s15] =	ssyncadd.s32 $0xFFFFE000  }
0x3d: {  	s21 =	sshrl.u32 s19, $0x1;
	_ =	swait.ge [sflag:s15], $0x2000  }
0x3e: {  	s21 =	ssub.s32 s19, s21;
	[sflag:s15] =	ssyncset.done $0x0  }
0x3f: {  	s31 =	smax.u32 s21, $0x1;
	[sflag:s15] =	ssyncadd.s32 $0xFFFFE000  }
0x40: {  	p0 =	sne.s32 s31, $0x1;
	_ =	swait.ge [sflag:s15], $0x2000  }
.Ltmp0:
0x41: {  	[sflag:s15] =	ssyncset.done $0x0;
	(pc) =	sbr.rel @!p0 .LBB2_2-.Ltmp0, $4  }
0x42: {  	s19 =	sadd.s32 $0x8A200, s20;
	[sflag:s15] =	ssyncadd.s32 $0xFFFFE000  }
0x43: {  	[hbm4b:s19+s2] =	stream.linear.scatter [tilespmem:s7], [sflag:$0x2], $0xA000, $0x38;
	[tilespmem:$0xA280] =	vst v63  }
0x44: {  	_ =	swait.ge [sflag:s3], $0xA000  }
0x45: {  	s20 =	sadd.s32 $0xFFFFFFFF, s31;
	[sflag:s3] =	ssyncset.done $0x0  }
.LBB2_1:
0x46: {  	p0 =	sne.s32 s20, $0x1;
	s20 =	sadd.s32 $0xFFFFFFFF, s20;
	[sflag:s3] =	ssyncadd.s32 $0xFFFF6000  }
0x47: {  	[tilespmem:s2], [sflag:$0x2] =	stream.linear.gather [hbm4b:s4+s2], $0x280, $0x38;
	[tilespmem:$0xA280] =	vst v63  }
0x48: {  	_ =	swait.ge [sflag:s3], $0x280  }
0x49: {  	[sflag:s3] =	ssyncset.done $0x0  }
0x4a: {  	[sflag:s3] =	ssyncadd.s32 $0xFFFFFD80  }
0x4b: {  	[tilespmem:s7], [sflag:$0x1] =	stream.indirect.gather [hbm4b:s5+s6], $0x40, s2, s6, $0xb8;
	[tilespmem:$0xA280] =	vst v63  }
0x4c: {  	_ = 	snop  }
0x4d: {  	[tilespmem:s8], [sflag:$0x1] =	stream.indirect.gather [hbm4b:s5+s6], $0x40, s6, s6, $0xb8;
	[tilespmem:$0xA280] =	vst v63  }
0x4e: {  	_ = 	snop  }
0x4f: {  	[tilespmem:s10], [sflag:$0x1] =	stream.indirect.gather [hbm4b:s5+s6], $0x40, s9, s6, $0xb8;
	[tilespmem:$0xA280] =	vst v63  }
0x50: {  	_ = 	snop  }
0x51: {  	[tilespmem:s12], [sflag:$0x1] =	stream.indirect.gather [hbm4b:s5+s6], $0x40, s11, s6, $0xb8;
	[tilespmem:$0xA280] =	vst v63  }
0x52: {  	_ = 	snop  }
0x53: {  	[tilespmem:s14], [sflag:$0x1] =	stream.indirect.gather [hbm4b:s5+s6], $0x40, s13, s6, $0xb8;
	[tilespmem:$0xA280] =	vst v63  }
0x54: {  	_ =	swait.ge [sflag:s15], $0x2000  }
0x55: {  	[sflag:s15] =	ssyncset.done $0x0  }
0x56: {  	[sflag:s15] =	ssyncadd.s32 $0xFFFFE000  }
0x57: {  	_ =	swait.ge [sflag:s15], $0x2000  }
0x58: {  	[sflag:s15] =	ssyncset.done $0x0  }
0x59: {  	[sflag:s15] =	ssyncadd.s32 $0xFFFFE000  }
0x5a: {  	_ =	swait.ge [sflag:s15], $0x2000  }
0x5b: {  	[sflag:s15] =	ssyncset.done $0x0  }
0x5c: {  	[sflag:s15] =	ssyncadd.s32 $0xFFFFE000  }
0x5d: {  	_ =	swait.ge [sflag:s15], $0x2000  }
0x5e: {  	[sflag:s15] =	ssyncset.done $0x0  }
0x5f: {  	[sflag:s15] =	ssyncadd.s32 $0xFFFFE000  }
0x60: {  	_ =	swait.ge [sflag:s15], $0x2000  }
0x61: {  	[sflag:s15] =	ssyncset.done $0x0  }
0x62: {  	[sflag:s15] =	ssyncadd.s32 $0xFFFFE000  }
0x63: {  	[hbm4b:s16+s2] =	stream.linear.scatter [tilespmem:s7], [sflag:$0x2], $0xA000, $0x38;
	[tilespmem:$0xA280] =	vst v63  }
0x64: {  	_ =	swait.ge [sflag:s3], $0xA000  }
0x65: {  	[sflag:s3] =	ssyncset.done $0x0  }
0x66: {  	[sflag:s3] =	ssyncadd.s32 $0xFFFF6000  }
0x67: {  	[tilespmem:s2], [sflag:$0x2] =	stream.linear.gather [hbm4b:s17+s2], $0x280, $0x38;
	[tilespmem:$0xA280] =	vst v63  }
0x68: {  	_ =	swait.ge [sflag:s3], $0x280  }
0x69: {  	[sflag:s3] =	ssyncset.done $0x0  }
0x6a: {  	[sflag:s3] =	ssyncadd.s32 $0xFFFFFD80  }
0x6b: {  	[tilespmem:s7], [sflag:$0x1] =	stream.indirect.gather [hbm4b:s18+s6], $0x40, s2, s6, $0xb8;
	[tilespmem:$0xA280] =	vst v63  }
0x6c: {  	_ = 	snop  }
0x6d: {  	[tilespmem:s8], [sflag:$0x1] =	stream.indirect.gather [hbm4b:s18+s6], $0x40, s6, s6, $0xb8;
	[tilespmem:$0xA280] =	vst v63  }
0x6e: {  	_ = 	snop  }
0x6f: {  	[tilespmem:s10], [sflag:$0x1] =	stream.indirect.gather [hbm4b:s18+s6], $0x40, s9, s6, $0xb8;
	[tilespmem:$0xA280] =	vst v63  }
0x70: {  	_ = 	snop  }
0x71: {  	[tilespmem:s12], [sflag:$0x1] =	stream.indirect.gather [hbm4b:s18+s6], $0x40, s11, s6, $0xb8;
	[tilespmem:$0xA280] =	vst v63  }
0x72: {  	_ = 	snop  }
0x73: {  	[tilespmem:s14], [sflag:$0x1] =	stream.indirect.gather [hbm4b:s18+s6], $0x40, s13, s6, $0xb8;
	[tilespmem:$0xA280] =	vst v63  }
0x74: {  	_ =	swait.ge [sflag:s15], $0x2000  }
0x75: {  	[sflag:s15] =	ssyncset.done $0x0  }
0x76: {  	[sflag:s15] =	ssyncadd.s32 $0xFFFFE000  }
0x77: {  	_ =	swait.ge [sflag:s15], $0x2000  }
0x78: {  	[sflag:s15] =	ssyncset.done $0x0  }
0x79: {  	[sflag:s15] =	ssyncadd.s32 $0xFFFFE000  }
0x7a: {  	_ =	swait.ge [sflag:s15], $0x2000  }
0x7b: {  	[sflag:s15] =	ssyncset.done $0x0  }
0x7c: {  	[sflag:s15] =	ssyncadd.s32 $0xFFFFE000  }
0x7d: {  	_ =	swait.ge [sflag:s15], $0x2000  }
0x7e: {  	[sflag:s15] =	ssyncset.done $0x0  }
0x7f: {  	[sflag:s15] =	ssyncadd.s32 $0xFFFFE000  }
0x80: {  	_ =	swait.ge [sflag:s15], $0x2000  }
.Ltmp1:
0x81: {  	[sflag:s15] =	ssyncset.done $0x0;
	(pc) =	sbr.rel @p0 .LBB2_1-.Ltmp1, $4  }
0x82: {  	[sflag:s15] =	ssyncadd.s32 $0xFFFFE000  }
0x83: {  	[hbm4b:s19+s2] =	stream.linear.scatter [tilespmem:s7], [sflag:$0x2], $0xA000, $0x38;
	[tilespmem:$0xA280] =	vst v63  }
0x84: {  	_ =	swait.ge [sflag:s3], $0xA000  }
0x85: {  	[sflag:s3] =	ssyncset.done $0x0  }
.LBB2_2:
0x86: {  	[sflag:s3] =	ssyncadd.s32 $0xFFFF6000  }
0x87: {  	_ =	sfence.sel $0x180000  }
0x88: {  	[bflag:$0x0] =	sbarrier.arrive $0xFFFF  }
0x89: {  	p0 =	sne.s32 s0, $0x0;
	_ =	strace $0x90000047  }
0x8a: {  	s0 =	sadd.s32 @!p0 $0x100000, s1;
	[bflag:$0x2] =	sbarrier.arrive $0xFFFF  }
0x8b: {  	[sflag:s0] =	ssyncadd.tile.s32 @!p0 $0x1;
	_ =	shalt  }
.Lfunc_end2:
_tile_overlayer_lowered:
.L_overlay_start_2:
0x8c: {  	(tag) =	ssettag $0x2  }
0x8d: {  	s0 =	rddreg [dreg:$0x0];
	s2 =	stileid.u32  }
0x8e: {  	s1 =	rddreg [dreg:$0x1];
	p0 =	sne.s32 s2, $0x0  }
0x8f: {  	s3 =	rddreg [dreg:$0x2];
	[bflag:$0x3] =	sbarrier.arrive $0xFFFF;
	s2 =	simm.s32 @!p0 $0x1C02  }
0x90: {  	[timem:s3], [sflag:s2] =	dma.local @!p0 [hbm:s0], s1  }
0x91: {  	s0 =	simm.s32 @!p0 $0x2  }
0x92: {  	_ =	swait.ge @!p0 [sflag:s0], s1  }
0x93: {  	s1 =	ssub.s32 @!p0 $0x0, s1;
	[sflag:s0] =	ssyncset.done @!p0 $0x0  }
0x94: {  	[sflag:s0] =	ssyncadd.s32 @!p0 s1  }
0x95: {  	[bflag:$0x3] =	sbarrier.arrive $0xFFFF  }
0x96: {  	_ =	shalt  }

</sc_bundles>
